<compile_context>
chip_gen: v7x
topology: tpu7x:2x2x1
jax: 0.10.2.dev20260603
libtpu: 0.0.44.dev20260713+nightly
codegen_flags: <defaults>
</compile_context>

<pallas_src>
import jax
import jax.numpy as jnp
from jax import lax
from jax.experimental import pallas as pl
from jax.experimental.pallas import tpu as pltpu
from jax.experimental.pallas import tpu_sc as plsc

_N_EXPERTS = 64
_D = 64
_B = 16384

_NC = 2
_NS = 16
_NW = _NC * _NS

_TI = _D // 8
_NQ = _NW // _TI
_BQ = _B // _NQ // 128
_BPW = _B // _NQ


def _rsqrt_newton(s):
    i = lax.bitcast_convert_type(s, jnp.int32)
    y = lax.bitcast_convert_type(jnp.int32(0x5F3759DF) - (i >> 1), jnp.float32)
    for _ in range(4):
        y = y * (1.5 - 0.5 * s * y * y)
    return y


_mesh = plsc.VectorSubcoreMesh(
    core_axis_name="c", subcore_axis_name="s", num_cores=_NC, num_subcores=_NS
)

_KERNEL_KWARGS = dict(
    mesh=_mesh,
    out_type=jax.ShapeDtypeStruct((_TI * 128, 8, 128), jnp.float32),
    scratch_types=[
        pltpu.VMEM((_N_EXPERTS, 2 * _D), jnp.float32),
        pltpu.VMEM((_N_EXPERTS, _D + 1), jnp.float32),
        pltpu.VMEM((_BPW,), jnp.int32),
        pltpu.VMEM((_BQ, 8, 128), jnp.float32),
        pltpu.SemaphoreType.DMA,
        pltpu.SemaphoreType.DMA,
        pltpu.SemaphoreType.DMA,
        pltpu.SemaphoreType.DMA,
    ],
    compiler_params=pltpu.CompilerParams(
        use_tc_tiling_on_sc=False, needs_layout_passes=False
    ),
)


def _lookup_body(tab_hbm, idx_hbm, out_hbm, tab_raw_v, tab_v, idx_v, stage_v,
                 sem_t, sem_i, sem_a, sem_b):
    wid = lax.axis_index("s") * _NC + lax.axis_index("c")
    ti = wid // _NQ
    q = wid % _NQ
    idx_dma = pltpu.async_copy(idx_hbm.at[pl.ds(q * _BPW, _BPW)], idx_v, sem_i)
    pltpu.async_copy(tab_hbm, tab_raw_v, sem_t).wait()

    @plsc.parallel_loop(0, _N_EXPERTS, unroll=2)
    def normalize(r):
        vs = [tab_raw_v[r, pl.ds(d * 16, 16)] for d in range(_D // 16)]
        sq = vs[0] * vs[0]
        for v in vs[1:]:
            sq = sq + v * v
        s = lax.reduce_sum_p.bind(sq, axes=(0,))
        scale = jnp.where(s > 0.0, _rsqrt_newton(s), 0.0)
        for d, v in enumerate(vs):
            tab_v[r, pl.ds(d * 16, 16)] = v * scale

    idx_dma.wait()

    def build_group(tj):
        t = tj // 8
        j = tj % 8
        idx16 = idx_v[pl.ds(tj * 16, 16)]
        for s in range(8):
            dfull = jnp.full((16,), ti * 8 + s, jnp.int32)
            stage_v[t, s, pl.ds(j * 16, 16)] = plsc.load_gather(
                tab_v, [idx16, dfull]
            )

    base = ti * 128 + q * _BQ
    half = _BQ // 2
    plsc.parallel_loop(0, half * 8, unroll=4)(build_group)
    dma_a = pltpu.async_copy(
        stage_v.at[pl.ds(0, half)], out_hbm.at[pl.ds(base, half)], sem_a
    )
    plsc.parallel_loop(half * 8, _BQ * 8, unroll=4)(build_group)
    dma_b = pltpu.async_copy(
        stage_v.at[pl.ds(half, half)], out_hbm.at[pl.ds(base + half, half)],
        sem_b,
    )
    dma_a.wait()
    dma_b.wait()


_lookup_kernel = pl.kernel(_lookup_body, **_KERNEL_KWARGS)


def kernel(experts, table):
    table128 = jnp.pad(table, ((0, 0), (0, _D)))
    out4 = _lookup_kernel(table128, experts.astype(jnp.int32))
    out4 = out4.reshape(_TI, 128, 8, 128)
    return out4.transpose(1, 3, 0, 2).reshape(_B, _D)

# --- scband reference (transcript-rebuilt; emitter-appended) ---
"""Pipeline reference for scband-expert-embeddings-26774826123535 (READ-ONLY COPY).

The authoritative reference and input builder live on the scoring server;
editing this copy changes nothing except your own understanding.
"""

import jax, jax.numpy as jnp
import numpy as np

NUM_EXPERTS = 64
EMBED_DIM = 64
BATCH = 16384

def setup_inputs(seed: int = 0) -> dict:
    key = jax.random.key(seed)
    k_idx, k_tab = jax.random.split(key)
    experts = jax.random.randint(k_idx, (BATCH,), 0, NUM_EXPERTS, dtype=jnp.int64 if jax.config.read('jax_enable_x64') else jnp.int32)
    table = jax.random.normal(k_tab, (NUM_EXPERTS, EMBED_DIM), dtype=jnp.float32)
    return {"experts": experts, "table": table}

def reference(experts, table):
    # Embedding lookup: gather rows of the expert embedding table
    emb = jnp.take(table, experts, axis=0)
    # F.normalize(emb, p=2, dim=1): x / max(||x||_2, eps)
    norm = jnp.linalg.norm(emb, ord=2, axis=1, keepdims=True)
    out = emb / jnp.maximum(norm, 1e-12)
    return out

if __name__ == "__main__":
    import jax
    _d = setup_inputs()
    print(jax.jit(kernel)(*tuple(_d.values())))

</pallas_src>

<mosaic_0001>
#map = affine_map<(d0, d1) -> (0, 0)>
#map1 = affine_map<(d0, d1) -> (0)>
#map2 = affine_map<(d0, d1) -> (0, 0, 0)>
module attributes {stable_mosaic.version = 14 : i64} {
  func.func @_lookup_body(%arg0: i32, %arg1: i32, %arg2: memref<64x128xf32, #tpu.memory_space<hbm>>, %arg3: memref<16384xi32, #tpu.memory_space<hbm>>, %arg4: memref<1024x8x128xf32, #tpu.memory_space<hbm>>, %arg5: memref<64x128xf32, #tpu.memory_space<vmem>>, %arg6: memref<64x65xf32, #tpu.memory_space<vmem>>, %arg7: memref<4096xi32, #tpu.memory_space<vmem>>, %arg8: memref<32x8x128xf32, #tpu.memory_space<vmem>>, %arg9: memref<!tpu.dma_semaphore, #tpu.memory_space<semaphore_mem>>, %arg10: memref<!tpu.dma_semaphore, #tpu.memory_space<semaphore_mem>>, %arg11: memref<!tpu.dma_semaphore, #tpu.memory_space<semaphore_mem>>, %arg12: memref<!tpu.dma_semaphore, #tpu.memory_space<semaphore_mem>>) attributes {dimension_semantics = [#tpu.dimension_semantics<core_parallel>, #tpu.dimension_semantics<subcore_parallel>], iteration_bounds = array<i64: 2, 16>, scalar_prefetch = 0 : i64, scratch_operands = 8 : i64, tpu.core_type = #tpu.core_type<sc_vector_subcore>, window_params = [{transform_indices = #map}, {transform_indices = #map1}, {transform_indices = #map2}]} {
    %mul3A = arith.constant 2 : i32
    %mul3A_0 = arith.muli %arg1, %mul3A : i32
    %add3A = arith.addi %mul3A_0, %arg0 : i32
    %jit3A = arith.constant 4 : i32
    %div3A = arith.divsi %add3A, %jit3A : i32
    %sign3A = arith.constant 0 : i32
    %sign3A_1 = arith.cmpi sgt, %add3A, %sign3A : i32
    %sign3A_2 = arith.extui %sign3A_1 : i1 to i32
    %sign3A_3 = arith.constant 0 : i32
    %sign3A_4 = arith.cmpi slt, %add3A, %sign3A_3 : i32
    %sign3A_5 = arith.extui %sign3A_4 : i1 to i32
    %sign3A_6 = arith.subi %sign3A_2, %sign3A_5 : i32
    %sign3A_7 = arith.constant 0 : i32
    %sign3A_8 = arith.cmpi sgt, %jit3A, %sign3A_7 : i32
    %sign3A_9 = arith.extui %sign3A_8 : i1 to i32
    %sign3A_10 = arith.constant 0 : i32
    %sign3A_11 = arith.cmpi slt, %jit3A, %sign3A_10 : i32
    %sign3A_12 = arith.extui %sign3A_11 : i1 to i32
    %sign3A_13 = arith.subi %sign3A_9, %sign3A_12 : i32
    %ne3A = arith.cmpi ne, %sign3A_6, %sign3A_13 : i32
    %rem3A = arith.remsi %add3A, %jit3A : i32
    %ne3A_14 = arith.constant 0 : i32
    %ne3A_15 = arith.cmpi ne, %rem3A, %ne3A_14 : i32
    %and3A = arith.andi %ne3A, %ne3A_15 : i1
    %sub3A = arith.constant 1 : i32
    %sub3A_16 = arith.subi %div3A, %sub3A : i32
    %select_n3A = arith.select %and3A, %sub3A_16, %div3A : i32
    %jit3A_17 = arith.constant 4 : i32
    %eq3A = arith.constant 0 : i32
    %eq3A_18 = arith.cmpi eq, %jit3A_17, %eq3A : i32
    %jit3A_19 = arith.constant 1 : i32
    %select_n3A_20 = arith.select %eq3A_18, %jit3A_19, %jit3A_17 : i32
    %rem3A_21 = arith.remsi %add3A, %select_n3A_20 : i32
    %ne3A_22 = arith.constant 0 : i32
    %ne3A_23 = arith.cmpi ne, %rem3A_21, %ne3A_22 : i32
    %lt3A = arith.constant 0 : i32
    %lt3A_24 = arith.cmpi slt, %rem3A_21, %lt3A : i32
    %lt3A_25 = arith.constant 0 : i32
    %lt3A_26 = arith.cmpi slt, %select_n3A_20, %lt3A_25 : i32
    %ne3A_27 = arith.xori %lt3A_24, %lt3A_26 : i1
    %and3A_28 = arith.andi %ne3A_27, %ne3A_23 : i1
    %add3A_29 = arith.addi %rem3A_21, %select_n3A_20 : i32
    %select_n3A_30 = arith.select %and3A_28, %add3A_29, %rem3A_21 : i32
    %mul3A_31 = arith.constant 4096 : i32
    %mul3A_32 = arith.muli %select_n3A_30, %mul3A_31 : i32
    %dma_start3A = tpu.memref_slice %arg3[%mul3A_32] : memref<16384xi32, #tpu.memory_space<hbm>> -> memref<4096xi32, #tpu.memory_space<hbm>>
    %dma_start3A_33 = tpu.memref_slice %arg3[%mul3A_32] : memref<16384xi32, #tpu.memory_space<hbm>> -> memref<4096xi32, #tpu.memory_space<hbm>>
    tpu.enqueue_dma source(%dma_start3A_33 : memref<4096xi32, #tpu.memory_space<hbm>>) target(%arg7 : memref<4096xi32, #tpu.memory_space<vmem>>) target_semaphore(%arg10 : memref<!tpu.dma_semaphore, #tpu.memory_space<semaphore_mem>>)
    tpu.enqueue_dma source(%arg2 : memref<64x128xf32, #tpu.memory_space<hbm>>) target(%arg5 : memref<64x128xf32, #tpu.memory_space<vmem>>) target_semaphore(%arg9 : memref<!tpu.dma_semaphore, #tpu.memory_space<semaphore_mem>>)
    tpu.wait_dma2 semaphore(%arg9 : memref<!tpu.dma_semaphore, #tpu.memory_space<semaphore_mem>>) src(%arg2 : memref<64x128xf32, #tpu.memory_space<hbm>>) dst(%arg5 : memref<64x128xf32, #tpu.memory_space<vmem>>)
    %parallel_loop3A = arith.constant 0 : i32
    %parallel_loop3A_34 = arith.constant 64 : i32
    %parallel_loop3A_35 = arith.constant 1 : i32
    scf.for %parallel_loop3A_106 = %parallel_loop3A to %parallel_loop3A_34 step %parallel_loop3A_35  : i32 {
      %parallel_loop3A_107 = arith.index_cast %parallel_loop3A_106 : i32 to index
      %parallel_loop3A_108 = arith.constant 0 : index
      %parallel_loop3A_109 = tpu.vector_load %arg5[%parallel_loop3A_107, %parallel_loop3A_108] {strides = array<i32>} : memref<64x128xf32, #tpu.memory_space<vmem>>, vector<16xf32>,
      %parallel_loop3A_110 = arith.index_cast %parallel_loop3A_106 : i32 to index
      %parallel_loop3A_111 = arith.constant 16 : index
      %parallel_loop3A_112 = tpu.vector_load %arg5[%parallel_loop3A_110, %parallel_loop3A_111] {strides = array<i32>} : memref<64x128xf32, #tpu.memory_space<vmem>>, vector<16xf32>,
      %parallel_loop3A_113 = arith.index_cast %parallel_loop3A_106 : i32 to index
      %parallel_loop3A_114 = arith.constant 32 : index
      %parallel_loop3A_115 = tpu.vector_load %arg5[%parallel_loop3A_113, %parallel_loop3A_114] {strides = array<i32>} : memref<64x128xf32, #tpu.memory_space<vmem>>, vector<16xf32>,
      %parallel_loop3A_116 = arith.index_cast %parallel_loop3A_106 : i32 to index
      %parallel_loop3A_117 = arith.constant 48 : index
      %parallel_loop3A_118 = tpu.vector_load %arg5[%parallel_loop3A_116, %parallel_loop3A_117] {strides = array<i32>} : memref<64x128xf32, #tpu.memory_space<vmem>>, vector<16xf32>,
      %parallel_loop3A_119 = arith.mulf %parallel_loop3A_109, %parallel_loop3A_109 : vector<16xf32>
      %parallel_loop3A_120 = arith.mulf %parallel_loop3A_112, %parallel_loop3A_112 : vector<16xf32>
      %parallel_loop3A_121 = arith.addf %parallel_loop3A_119, %parallel_loop3A_120 : vector<16xf32>
      %parallel_loop3A_122 = arith.mulf %parallel_loop3A_115, %parallel_loop3A_115 : vector<16xf32>
      %parallel_loop3A_123 = arith.addf %parallel_loop3A_121, %parallel_loop3A_122 : vector<16xf32>
      %parallel_loop3A_124 = arith.mulf %parallel_loop3A_118, %parallel_loop3A_118 : vector<16xf32>
      %parallel_loop3A_125 = arith.addf %parallel_loop3A_123, %parallel_loop3A_124 : vector<16xf32>
      %parallel_loop3A_126 = arith.constant true
      %parallel_loop3A_127 = vector.broadcast %parallel_loop3A_126 : i1 to vector<16xi1>
      %parallel_loop3A_128 = tpu.scan <sum>, %parallel_loop3A_125 masked %parallel_loop3A_127 : vector<16xf32>, vector<16xi1> -> vector<16xf32>
      %parallel_loop3A_129 = vector.extract %parallel_loop3A_128[15] : f32 from vector<16xf32>
      %parallel_loop3A_130 = arith.constant 0.000000e+00 : f32
      %parallel_loop3A_131 = arith.cmpf ogt, %parallel_loop3A_129, %parallel_loop3A_130 : f32
      %parallel_loop3A_132 = arith.bitcast %parallel_loop3A_129 : f32 to i32
      %parallel_loop3A_133 = arith.constant 1 : i32
      %parallel_loop3A_134 = arith.shrsi %parallel_loop3A_132, %parallel_loop3A_133 : i32
      %parallel_loop3A_135 = arith.constant 1597463007 : i32
      %parallel_loop3A_136 = arith.subi %parallel_loop3A_135, %parallel_loop3A_134 : i32
      %parallel_loop3A_137 = arith.bitcast %parallel_loop3A_136 : i32 to f32
      %parallel_loop3A_138 = arith.constant 5.000000e-01 : f32
      %parallel_loop3A_139 = arith.mulf %parallel_loop3A_138, %parallel_loop3A_129 : f32
      %parallel_loop3A_140 = arith.mulf %parallel_loop3A_139, %parallel_loop3A_137 : f32
      %parallel_loop3A_141 = arith.mulf %parallel_loop3A_140, %parallel_loop3A_137 : f32
      %parallel_loop3A_142 = arith.constant 1.500000e+00 : f32
      %parallel_loop3A_143 = arith.subf %parallel_loop3A_142, %parallel_loop3A_141 : f32
      %parallel_loop3A_144 = arith.mulf %parallel_loop3A_137, %parallel_loop3A_143 : f32
      %parallel_loop3A_145 = arith.constant 5.000000e-01 : f32
      %parallel_loop3A_146 = arith.mulf %parallel_loop3A_145, %parallel_loop3A_129 : f32
      %parallel_loop3A_147 = arith.mulf %parallel_loop3A_146, %parallel_loop3A_144 : f32
      %parallel_loop3A_148 = arith.mulf %parallel_loop3A_147, %parallel_loop3A_144 : f32
      %parallel_loop3A_149 = arith.constant 1.500000e+00 : f32
      %parallel_loop3A_150 = arith.subf %parallel_loop3A_149, %parallel_loop3A_148 : f32
      %parallel_loop3A_151 = arith.mulf %parallel_loop3A_144, %parallel_loop3A_150 : f32
      %parallel_loop3A_152 = arith.constant 5.000000e-01 : f32
      %parallel_loop3A_153 = arith.mulf %parallel_loop3A_152, %parallel_loop3A_129 : f32
      %parallel_loop3A_154 = arith.mulf %parallel_loop3A_153, %parallel_loop3A_151 : f32
      %parallel_loop3A_155 = arith.mulf %parallel_loop3A_154, %parallel_loop3A_151 : f32
      %parallel_loop3A_156 = arith.constant 1.500000e+00 : f32
      %parallel_loop3A_157 = arith.subf %parallel_loop3A_156, %parallel_loop3A_155 : f32
      %parallel_loop3A_158 = arith.mulf %parallel_loop3A_151, %parallel_loop3A_157 : f32
      %parallel_loop3A_159 = arith.constant 5.000000e-01 : f32
      %parallel_loop3A_160 = arith.mulf %parallel_loop3A_159, %parallel_loop3A_129 : f32
      %parallel_loop3A_161 = arith.mulf %parallel_loop3A_160, %parallel_loop3A_158 : f32
      %parallel_loop3A_162 = arith.mulf %parallel_loop3A_161, %parallel_loop3A_158 : f32
      %parallel_loop3A_163 = arith.constant 1.500000e+00 : f32
      %parallel_loop3A_164 = arith.subf %parallel_loop3A_163, %parallel_loop3A_162 : f32
      %parallel_loop3A_165 = arith.mulf %parallel_loop3A_158, %parallel_loop3A_164 : f32
      %parallel_loop3A_166 = arith.constant 0.000000e+00 : f32
      %parallel_loop3A_167 = arith.select %parallel_loop3A_131, %parallel_loop3A_165, %parallel_loop3A_166 : f32
      %parallel_loop3A_168 = vector.broadcast %parallel_loop3A_167 : f32 to vector<16xf32>
      %parallel_loop3A_169 = arith.mulf %parallel_loop3A_109, %parallel_loop3A_168 : vector<16xf32>
      %parallel_loop3A_170 = arith.index_cast %parallel_loop3A_106 : i32 to index
      %parallel_loop3A_171 = arith.constant 0 : index
      %parallel_loop3A_172 = tpu.vector_load %arg6[%parallel_loop3A_170, %parallel_loop3A_171] {strides = array<i32>} : memref<64x65xf32, #tpu.memory_space<vmem>>, vector<16xf32>,
      tpu.vector_store %arg6[%parallel_loop3A_170, %parallel_loop3A_171], %parallel_loop3A_169 {strides = array<i32>} : memref<64x65xf32, #tpu.memory_space<vmem>>, vector<16xf32>,
      %parallel_loop3A_173 = vector.broadcast %parallel_loop3A_167 : f32 to vector<16xf32>
      %parallel_loop3A_174 = arith.mulf %parallel_loop3A_112, %parallel_loop3A_173 : vector<16xf32>
      %parallel_loop3A_175 = arith.index_cast %parallel_loop3A_106 : i32 to index
      %parallel_loop3A_176 = arith.constant 16 : index
      %parallel_loop3A_177 = tpu.vector_load %arg6[%parallel_loop3A_175, %parallel_loop3A_176] {strides = array<i32>} : memref<64x65xf32, #tpu.memory_space<vmem>>, vector<16xf32>,
      tpu.vector_store %arg6[%parallel_loop3A_175, %parallel_loop3A_176], %parallel_loop3A_174 {strides = array<i32>} : memref<64x65xf32, #tpu.memory_space<vmem>>, vector<16xf32>,
      %parallel_loop3A_178 = vector.broadcast %parallel_loop3A_167 : f32 to vector<16xf32>
      %parallel_loop3A_179 = arith.mulf %parallel_loop3A_115, %parallel_loop3A_178 : vector<16xf32>
      %parallel_loop3A_180 = arith.index_cast %parallel_loop3A_106 : i32 to index
      %parallel_loop3A_181 = arith.constant 32 : index
      %parallel_loop3A_182 = tpu.vector_load %arg6[%parallel_loop3A_180, %parallel_loop3A_181] {strides = array<i32>} : memref<64x65xf32, #tpu.memory_space<vmem>>, vector<16xf32>,
      tpu.vector_store %arg6[%parallel_loop3A_180, %parallel_loop3A_181], %parallel_loop3A_179 {strides = array<i32>} : memref<64x65xf32, #tpu.memory_space<vmem>>, vector<16xf32>,
      %parallel_loop3A_183 = vector.broadcast %parallel_loop3A_167 : f32 to vector<16xf32>
      %parallel_loop3A_184 = arith.mulf %parallel_loop3A_118, %parallel_loop3A_183 : vector<16xf32>
      %parallel_loop3A_185 = arith.index_cast %parallel_loop3A_106 : i32 to index
      %parallel_loop3A_186 = arith.constant 48 : index
      %parallel_loop3A_187 = tpu.vector_load %arg6[%parallel_loop3A_185, %parallel_loop3A_186] {strides = array<i32>} : memref<64x65xf32, #tpu.memory_space<vmem>>, vector<16xf32>,
      tpu.vector_store %arg6[%parallel_loop3A_185, %parallel_loop3A_186], %parallel_loop3A_184 {strides = array<i32>} : memref<64x65xf32, #tpu.memory_space<vmem>>, vector<16xf32>,
    } {sc.loop_unroll_factor = 2 : i64, sc.parallel_access}
    %dma_wait3A = tpu.memref_slice %arg3[%mul3A_32] : memref<16384xi32, #tpu.memory_space<hbm>> -> memref<4096xi32, #tpu.memory_space<hbm>>
    %dma_wait3A_36 = tpu.memref_slice %arg3[%mul3A_32] : memref<16384xi32, #tpu.memory_space<hbm>> -> memref<4096xi32, #tpu.memory_space<hbm>>
    tpu.wait_dma2 semaphore(%arg10 : memref<!tpu.dma_semaphore, #tpu.memory_space<semaphore_mem>>) src(%dma_wait3A_36 : memref<4096xi32, #tpu.memory_space<hbm>>) dst(%arg7 : memref<4096xi32, #tpu.memory_space<vmem>>)
    %mul3A_37 = arith.constant 128 : i32
    %mul3A_38 = arith.muli %select_n3A, %mul3A_37 : i32
    %mul3A_39 = arith.constant 32 : i32
    %mul3A_40 = arith.muli %select_n3A_30, %mul3A_39 : i32
    %add3A_41 = arith.addi %mul3A_38, %mul3A_40 : i32
    %parallel_loop3A_42 = arith.constant 0 : i32
    %parallel_loop3A_43 = arith.constant 128 : i32
    %parallel_loop3A_44 = arith.constant 1 : i32
    scf.for %parallel_loop3A_106 = %parallel_loop3A_42 to %parallel_loop3A_43 step %parallel_loop3A_44  : i32 {
      %parallel_loop3A_107 = arith.constant 8 : i32
      %parallel_loop3A_108 = arith.divsi %parallel_loop3A_106, %parallel_loop3A_107 : i32
      %parallel_loop3A_109 = arith.constant 0 : i32
      %parallel_loop3A_110 = arith.cmpi sgt, %parallel_loop3A_106, %parallel_loop3A_109 : i32
      %parallel_loop3A_111 = arith.extui %parallel_loop3A_110 : i1 to i32
      %parallel_loop3A_112 = arith.constant 0 : i32
      %parallel_loop3A_113 = arith.cmpi slt, %parallel_loop3A_106, %parallel_loop3A_112 : i32
      %parallel_loop3A_114 = arith.extui %parallel_loop3A_113 : i1 to i32
      %parallel_loop3A_115 = arith.subi %parallel_loop3A_111, %parallel_loop3A_114 : i32
      %parallel_loop3A_116 = arith.constant 0 : i32
      %parallel_loop3A_117 = arith.cmpi sgt, %parallel_loop3A_107, %parallel_loop3A_116 : i32
      %parallel_loop3A_118 = arith.extui %parallel_loop3A_117 : i1 to i32
      %parallel_loop3A_119 = arith.constant 0 : i32
      %parallel_loop3A_120 = arith.cmpi slt, %parallel_loop3A_107, %parallel_loop3A_119 : i32
      %parallel_loop3A_121 = arith.extui %parallel_loop3A_120 : i1 to i32
      %parallel_loop3A_122 = arith.subi %parallel_loop3A_118, %parallel_loop3A_121 : i32
      %parallel_loop3A_123 = arith.cmpi ne, %parallel_loop3A_115, %parallel_loop3A_122 : i32
      %parallel_loop3A_124 = arith.remsi %parallel_loop3A_106, %parallel_loop3A_107 : i32
      %parallel_loop3A_125 = arith.constant 0 : i32
      %parallel_loop3A_126 = arith.cmpi ne, %parallel_loop3A_124, %parallel_loop3A_125 : i32
      %parallel_loop3A_127 = arith.andi %parallel_loop3A_123, %parallel_loop3A_126 : i1
      %parallel_loop3A_128 = arith.constant 1 : i32
      %parallel_loop3A_129 = arith.subi %parallel_loop3A_108, %parallel_loop3A_128 : i32
      %parallel_loop3A_130 = arith.select %parallel_loop3A_127, %parallel_loop3A_129, %parallel_loop3A_108 : i32
      %parallel_loop3A_131 = arith.constant 8 : i32
      %parallel_loop3A_132 = arith.constant 0 : i32
      %parallel_loop3A_133 = arith.cmpi eq, %parallel_loop3A_131, %parallel_loop3A_132 : i32
      %parallel_loop3A_134 = arith.constant 1 : i32
      %parallel_loop3A_135 = arith.select %parallel_loop3A_133, %parallel_loop3A_134, %parallel_loop3A_131 : i32
      %parallel_loop3A_136 = arith.remsi %parallel_loop3A_106, %parallel_loop3A_135 : i32
      %parallel_loop3A_137 = arith.constant 0 : i32
      %parallel_loop3A_138 = arith.cmpi ne, %parallel_loop3A_136, %parallel_loop3A_137 : i32
      %parallel_loop3A_139 = arith.constant 0 : i32
      %parallel_loop3A_140 = arith.cmpi slt, %parallel_loop3A_136, %parallel_loop3A_139 : i32
      %parallel_loop3A_141 = arith.constant 0 : i32
      %parallel_loop3A_142 = arith.cmpi slt, %parallel_loop3A_135, %parallel_loop3A_141 : i32
      %parallel_loop3A_143 = arith.xori %parallel_loop3A_140, %parallel_loop3A_142 : i1
      %parallel_loop3A_144 = arith.andi %parallel_loop3A_143, %parallel_loop3A_138 : i1
      %parallel_loop3A_145 = arith.addi %parallel_loop3A_136, %parallel_loop3A_135 : i32
      %parallel_loop3A_146 = arith.select %parallel_loop3A_144, %parallel_loop3A_145, %parallel_loop3A_136 : i32
      %parallel_loop3A_147 = arith.constant 16 : i32
      %parallel_loop3A_148 = arith.muli %parallel_loop3A_106, %parallel_loop3A_147 : i32
      %parallel_loop3A_149 = arith.index_cast %parallel_loop3A_148 : i32 to index
      %parallel_loop3A_150 = tpu.vector_load %arg7[%parallel_loop3A_149] {strides = array<i32>} : memref<4096xi32, #tpu.memory_space<vmem>>, vector<16xi32>,
      %parallel_loop3A_151 = arith.constant 8 : i32
      %parallel_loop3A_152 = arith.muli %select_n3A, %parallel_loop3A_151 : i32
      %parallel_loop3A_153 = arith.constant 0 : i32
      %parallel_loop3A_154 = arith.addi %parallel_loop3A_152, %parallel_loop3A_153 : i32
      %parallel_loop3A_155 = vector.broadcast %parallel_loop3A_154 : i32 to vector<16xi32>
      %parallel_loop3A_156 = tpu.vector_load_idx %arg6[%parallel_loop3A_150, %parallel_loop3A_155] : memref<64x65xf32, #tpu.memory_space<vmem>>[vector<16xi32>, vector<16xi32>], vector<16xf32>,
      %parallel_loop3A_157 = arith.constant 16 : i32
      %parallel_loop3A_158 = arith.muli %parallel_loop3A_146, %parallel_loop3A_157 : i32
      %parallel_loop3A_159 = arith.constant 0 : i32
      %parallel_loop3A_160 = arith.index_cast %parallel_loop3A_130 : i32 to index
      %parallel_loop3A_161 = arith.index_cast %parallel_loop3A_159 : i32 to index
      %parallel_loop3A_162 = arith.index_cast %parallel_loop3A_158 : i32 to index
      %parallel_loop3A_163 = tpu.vector_load %arg8[%parallel_loop3A_160, %parallel_loop3A_161, %parallel_loop3A_162] {strides = array<i32>} : memref<32x8x128xf32, #tpu.memory_space<vmem>>, vector<16xf32>,
      tpu.vector_store %arg8[%parallel_loop3A_160, %parallel_loop3A_161, %parallel_loop3A_162], %parallel_loop3A_156 {strides = array<i32>} : memref<32x8x128xf32, #tpu.memory_space<vmem>>, vector<16xf32>,
      %parallel_loop3A_164 = arith.constant 8 : i32
      %parallel_loop3A_165 = arith.muli %select_n3A, %parallel_loop3A_164 : i32
      %parallel_loop3A_166 = arith.constant 1 : i32
      %parallel_loop3A_167 = arith.addi %parallel_loop3A_165, %parallel_loop3A_166 : i32
      %parallel_loop3A_168 = vector.broadcast %parallel_loop3A_167 : i32 to vector<16xi32>
      %parallel_loop3A_169 = tpu.vector_load_idx %arg6[%parallel_loop3A_150, %parallel_loop3A_168] : memref<64x65xf32, #tpu.memory_space<vmem>>[vector<16xi32>, vector<16xi32>], vector<16xf32>,
      %parallel_loop3A_170 = arith.constant 16 : i32
      %parallel_loop3A_171 = arith.muli %parallel_loop3A_146, %parallel_loop3A_170 : i32
      %parallel_loop3A_172 = arith.constant 1 : i32
      %parallel_loop3A_173 = arith.index_cast %parallel_loop3A_130 : i32 to index
      %parallel_loop3A_174 = arith.index_cast %parallel_loop3A_172 : i32 to index
      %parallel_loop3A_175 = arith.index_cast %parallel_loop3A_171 : i32 to index
      %parallel_loop3A_176 = tpu.vector_load %arg8[%parallel_loop3A_173, %parallel_loop3A_174, %parallel_loop3A_175] {strides = array<i32>} : memref<32x8x128xf32, #tpu.memory_space<vmem>>, vector<16xf32>,
      tpu.vector_store %arg8[%parallel_loop3A_173, %parallel_loop3A_174, %parallel_loop3A_175], %parallel_loop3A_169 {strides = array<i32>} : memref<32x8x128xf32, #tpu.memory_space<vmem>>, vector<16xf32>,
      %parallel_loop3A_177 = arith.constant 8 : i32
      %parallel_loop3A_178 = arith.muli %select_n3A, %parallel_loop3A_177 : i32
      %parallel_loop3A_179 = arith.constant 2 : i32
      %parallel_loop3A_180 = arith.addi %parallel_loop3A_178, %parallel_loop3A_179 : i32
      %parallel_loop3A_181 = vector.broadcast %parallel_loop3A_180 : i32 to vector<16xi32>
      %parallel_loop3A_182 = tpu.vector_load_idx %arg6[%parallel_loop3A_150, %parallel_loop3A_181] : memref<64x65xf32, #tpu.memory_space<vmem>>[vector<16xi32>, vector<16xi32>], vector<16xf32>,
      %parallel_loop3A_183 = arith.constant 16 : i32
      %parallel_loop3A_184 = arith.muli %parallel_loop3A_146, %parallel_loop3A_183 : i32
      %parallel_loop3A_185 = arith.constant 2 : i32
      %parallel_loop3A_186 = arith.index_cast %parallel_loop3A_130 : i32 to index
      %parallel_loop3A_187 = arith.index_cast %parallel_loop3A_185 : i32 to index
      %parallel_loop3A_188 = arith.index_cast %parallel_loop3A_184 : i32 to index
      %parallel_loop3A_189 = tpu.vector_load %arg8[%parallel_loop3A_186, %parallel_loop3A_187, %parallel_loop3A_188] {strides = array<i32>} : memref<32x8x128xf32, #tpu.memory_space<vmem>>, vector<16xf32>,
      tpu.vector_store %arg8[%parallel_loop3A_186, %parallel_loop3A_187, %parallel_loop3A_188], %parallel_loop3A_182 {strides = array<i32>} : memref<32x8x128xf32, #tpu.memory_space<vmem>>, vector<16xf32>,
      %parallel_loop3A_190 = arith.constant 8 : i32
      %parallel_loop3A_191 = arith.muli %select_n3A, %parallel_loop3A_190 : i32
      %parallel_loop3A_192 = arith.constant 3 : i32
      %parallel_loop3A_193 = arith.addi %parallel_loop3A_191, %parallel_loop3A_192 : i32
      %parallel_loop3A_194 = vector.broadcast %parallel_loop3A_193 : i32 to vector<16xi32>
      %parallel_loop3A_195 = tpu.vector_load_idx %arg6[%parallel_loop3A_150, %parallel_loop3A_194] : memref<64x65xf32, #tpu.memory_space<vmem>>[vector<16xi32>, vector<16xi32>], vector<16xf32>,
      %parallel_loop3A_196 = arith.constant 16 : i32
      %parallel_loop3A_197 = arith.muli %parallel_loop3A_146, %parallel_loop3A_196 : i32
      %parallel_loop3A_198 = arith.constant 3 : i32
      %parallel_loop3A_199 = arith.index_cast %parallel_loop3A_130 : i32 to index
      %parallel_loop3A_200 = arith.index_cast %parallel_loop3A_198 : i32 to index
      %parallel_loop3A_201 = arith.index_cast %parallel_loop3A_197 : i32 to index
      %parallel_loop3A_202 = tpu.vector_load %arg8[%parallel_loop3A_199, %parallel_loop3A_200, %parallel_loop3A_201] {strides = array<i32>} : memref<32x8x128xf32, #tpu.memory_space<vmem>>, vector<16xf32>,
      tpu.vector_store %arg8[%parallel_loop3A_199, %parallel_loop3A_200, %parallel_loop3A_201], %parallel_loop3A_195 {strides = array<i32>} : memref<32x8x128xf32, #tpu.memory_space<vmem>>, vector<16xf32>,
      %parallel_loop3A_203 = arith.constant 8 : i32
      %parallel_loop3A_204 = arith.muli %select_n3A, %parallel_loop3A_203 : i32
      %parallel_loop3A_205 = arith.constant 4 : i32
      %parallel_loop3A_206 = arith.addi %parallel_loop3A_204, %parallel_loop3A_205 : i32
      %parallel_loop3A_207 = vector.broadcast %parallel_loop3A_206 : i32 to vector<16xi32>
      %parallel_loop3A_208 = tpu.vector_load_idx %arg6[%parallel_loop3A_150, %parallel_loop3A_207] : memref<64x65xf32, #tpu.memory_space<vmem>>[vector<16xi32>, vector<16xi32>], vector<16xf32>,
      %parallel_loop3A_209 = arith.constant 16 : i32
      %parallel_loop3A_210 = arith.muli %parallel_loop3A_146, %parallel_loop3A_209 : i32
      %parallel_loop3A_211 = arith.constant 4 : i32
      %parallel_loop3A_212 = arith.index_cast %parallel_loop3A_130 : i32 to index
      %parallel_loop3A_213 = arith.index_cast %parallel_loop3A_211 : i32 to index
      %parallel_loop3A_214 = arith.index_cast %parallel_loop3A_210 : i32 to index
      %parallel_loop3A_215 = tpu.vector_load %arg8[%parallel_loop3A_212, %parallel_loop3A_213, %parallel_loop3A_214] {strides = array<i32>} : memref<32x8x128xf32, #tpu.memory_space<vmem>>, vector<16xf32>,
      tpu.vector_store %arg8[%parallel_loop3A_212, %parallel_loop3A_213, %parallel_loop3A_214], %parallel_loop3A_208 {strides = array<i32>} : memref<32x8x128xf32, #tpu.memory_space<vmem>>, vector<16xf32>,
      %parallel_loop3A_216 = arith.constant 8 : i32
      %parallel_loop3A_217 = arith.muli %select_n3A, %parallel_loop3A_216 : i32
      %parallel_loop3A_218 = arith.constant 5 : i32
      %parallel_loop3A_219 = arith.addi %parallel_loop3A_217, %parallel_loop3A_218 : i32
      %parallel_loop3A_220 = vector.broadcast %parallel_loop3A_219 : i32 to vector<16xi32>
      %parallel_loop3A_221 = tpu.vector_load_idx %arg6[%parallel_loop3A_150, %parallel_loop3A_220] : memref<64x65xf32, #tpu.memory_space<vmem>>[vector<16xi32>, vector<16xi32>], vector<16xf32>,
      %parallel_loop3A_222 = arith.constant 16 : i32
      %parallel_loop3A_223 = arith.muli %parallel_loop3A_146, %parallel_loop3A_222 : i32
      %parallel_loop3A_224 = arith.constant 5 : i32
      %parallel_loop3A_225 = arith.index_cast %parallel_loop3A_130 : i32 to index
      %parallel_loop3A_226 = arith.index_cast %parallel_loop3A_224 : i32 to index
      %parallel_loop3A_227 = arith.index_cast %parallel_loop3A_223 : i32 to index
      %parallel_loop3A_228 = tpu.vector_load %arg8[%parallel_loop3A_225, %parallel_loop3A_226, %parallel_loop3A_227] {strides = array<i32>} : memref<32x8x128xf32, #tpu.memory_space<vmem>>, vector<16xf32>,
      tpu.vector_store %arg8[%parallel_loop3A_225, %parallel_loop3A_226, %parallel_loop3A_227], %parallel_loop3A_221 {strides = array<i32>} : memref<32x8x128xf32, #tpu.memory_space<vmem>>, vector<16xf32>,
      %parallel_loop3A_229 = arith.constant 8 : i32
      %parallel_loop3A_230 = arith.muli %select_n3A, %parallel_loop3A_229 : i32
      %parallel_loop3A_231 = arith.constant 6 : i32
      %parallel_loop3A_232 = arith.addi %parallel_loop3A_230, %parallel_loop3A_231 : i32
      %parallel_loop3A_233 = vector.broadcast %parallel_loop3A_232 : i32 to vector<16xi32>
      %parallel_loop3A_234 = tpu.vector_load_idx %arg6[%parallel_loop3A_150, %parallel_loop3A_233] : memref<64x65xf32, #tpu.memory_space<vmem>>[vector<16xi32>, vector<16xi32>], vector<16xf32>,
      %parallel_loop3A_235 = arith.constant 16 : i32
      %parallel_loop3A_236 = arith.muli %parallel_loop3A_146, %parallel_loop3A_235 : i32
      %parallel_loop3A_237 = arith.constant 6 : i32
      %parallel_loop3A_238 = arith.index_cast %parallel_loop3A_130 : i32 to index
      %parallel_loop3A_239 = arith.index_cast %parallel_loop3A_237 : i32 to index
      %parallel_loop3A_240 = arith.index_cast %parallel_loop3A_236 : i32 to index
      %parallel_loop3A_241 = tpu.vector_load %arg8[%parallel_loop3A_238, %parallel_loop3A_239, %parallel_loop3A_240] {strides = array<i32>} : memref<32x8x128xf32, #tpu.memory_space<vmem>>, vector<16xf32>,
      tpu.vector_store %arg8[%parallel_loop3A_238, %parallel_loop3A_239, %parallel_loop3A_240], %parallel_loop3A_234 {strides = array<i32>} : memref<32x8x128xf32, #tpu.memory_space<vmem>>, vector<16xf32>,
      %parallel_loop3A_242 = arith.constant 8 : i32
      %parallel_loop3A_243 = arith.muli %select_n3A, %parallel_loop3A_242 : i32
      %parallel_loop3A_244 = arith.constant 7 : i32
      %parallel_loop3A_245 = arith.addi %parallel_loop3A_243, %parallel_loop3A_244 : i32
      %parallel_loop3A_246 = vector.broadcast %parallel_loop3A_245 : i32 to vector<16xi32>
      %parallel_loop3A_247 = tpu.vector_load_idx %arg6[%parallel_loop3A_150, %parallel_loop3A_246] : memref<64x65xf32, #tpu.memory_space<vmem>>[vector<16xi32>, vector<16xi32>], vector<16xf32>,
      %parallel_loop3A_248 = arith.constant 16 : i32
      %parallel_loop3A_249 = arith.muli %parallel_loop3A_146, %parallel_loop3A_248 : i32
      %parallel_loop3A_250 = arith.constant 7 : i32
      %parallel_loop3A_251 = arith.index_cast %parallel_loop3A_130 : i32 to index
      %parallel_loop3A_252 = arith.index_cast %parallel_loop3A_250 : i32 to index
      %parallel_loop3A_253 = arith.index_cast %parallel_loop3A_249 : i32 to index
      %parallel_loop3A_254 = tpu.vector_load %arg8[%parallel_loop3A_251, %parallel_loop3A_252, %parallel_loop3A_253] {strides = array<i32>} : memref<32x8x128xf32, #tpu.memory_space<vmem>>, vector<16xf32>,
      tpu.vector_store %arg8[%parallel_loop3A_251, %parallel_loop3A_252, %parallel_loop3A_253], %parallel_loop3A_247 {strides = array<i32>} : memref<32x8x128xf32, #tpu.memory_space<vmem>>, vector<16xf32>,
    } {sc.loop_unroll_factor = 4 : i64, sc.parallel_access}
    %dma_start3A_45 = arith.constant 0 : i32
    %dma_start3A_46 = arith.constant 0 : i32
    %dma_start3A_47 = arith.constant 0 : i32
    %dma_start3A_48 = tpu.memref_slice %arg8[%dma_start3A_45, %dma_start3A_46, %dma_start3A_47] : memref<32x8x128xf32, #tpu.memory_space<vmem>> -> memref<16x8x128xf32, #tpu.memory_space<vmem>>
    %dma_start3A_49 = arith.constant 0 : i32
    %dma_start3A_50 = arith.constant 0 : i32
    %dma_start3A_51 = tpu.memref_slice %arg4[%add3A_41, %dma_start3A_49, %dma_start3A_50] : memref<1024x8x128xf32, #tpu.memory_space<hbm>> -> memref<16x8x128xf32, #tpu.memory_space<hbm>>
    %dma_start3A_52 = arith.constant 0 : i32
    %dma_start3A_53 = arith.constant 0 : i32
    %dma_start3A_54 = tpu.memref_slice %arg4[%add3A_41, %dma_start3A_52, %dma_start3A_53] : memref<1024x8x128xf32, #tpu.memory_space<hbm>> -> memref<16x8x128xf32, #tpu.memory_space<hbm>>
    %dma_start3A_55 = arith.constant 0 : i32
    %dma_start3A_56 = arith.constant 0 : i32
    %dma_start3A_57 = arith.constant 0 : i32
    %dma_start3A_58 = tpu.memref_slice %arg8[%dma_start3A_55, %dma_start3A_56, %dma_start3A_57] : memref<32x8x128xf32, #tpu.memory_space<vmem>> -> memref<16x8x128xf32, #tpu.memory_space<vmem>>
    tpu.enqueue_dma source(%dma_start3A_58 : memref<16x8x128xf32, #tpu.memory_space<vmem>>) target(%dma_start3A_54 : memref<16x8x128xf32, #tpu.memory_space<hbm>>) target_semaphore(%arg11 : memref<!tpu.dma_semaphore, #tpu.memory_space<semaphore_mem>>)
    %parallel_loop3A_59 = arith.constant 128 : i32
    %parallel_loop3A_60 = arith.constant 256 : i32
    %parallel_loop3A_61 = arith.constant 1 : i32
    scf.for %parallel_loop3A_106 = %parallel_loop3A_59 to %parallel_loop3A_60 step %parallel_loop3A_61  : i32 {
      %parallel_loop3A_107 = arith.constant 8 : i32
      %parallel_loop3A_108 = arith.divsi %parallel_loop3A_106, %parallel_loop3A_107 : i32
      %parallel_loop3A_109 = arith.constant 0 : i32
      %parallel_loop3A_110 = arith.cmpi sgt, %parallel_loop3A_106, %parallel_loop3A_109 : i32
      %parallel_loop3A_111 = arith.extui %parallel_loop3A_110 : i1 to i32
      %parallel_loop3A_112 = arith.constant 0 : i32
      %parallel_loop3A_113 = arith.cmpi slt, %parallel_loop3A_106, %parallel_loop3A_112 : i32
      %parallel_loop3A_114 = arith.extui %parallel_loop3A_113 : i1 to i32
      %parallel_loop3A_115 = arith.subi %parallel_loop3A_111, %parallel_loop3A_114 : i32
      %parallel_loop3A_116 = arith.constant 0 : i32
      %parallel_loop3A_117 = arith.cmpi sgt, %parallel_loop3A_107, %parallel_loop3A_116 : i32
      %parallel_loop3A_118 = arith.extui %parallel_loop3A_117 : i1 to i32
      %parallel_loop3A_119 = arith.constant 0 : i32
      %parallel_loop3A_120 = arith.cmpi slt, %parallel_loop3A_107, %parallel_loop3A_119 : i32
      %parallel_loop3A_121 = arith.extui %parallel_loop3A_120 : i1 to i32
      %parallel_loop3A_122 = arith.subi %parallel_loop3A_118, %parallel_loop3A_121 : i32
      %parallel_loop3A_123 = arith.cmpi ne, %parallel_loop3A_115, %parallel_loop3A_122 : i32
      %parallel_loop3A_124 = arith.remsi %parallel_loop3A_106, %parallel_loop3A_107 : i32
      %parallel_loop3A_125 = arith.constant 0 : i32
      %parallel_loop3A_126 = arith.cmpi ne, %parallel_loop3A_124, %parallel_loop3A_125 : i32
      %parallel_loop3A_127 = arith.andi %parallel_loop3A_123, %parallel_loop3A_126 : i1
      %parallel_loop3A_128 = arith.constant 1 : i32
      %parallel_loop3A_129 = arith.subi %parallel_loop3A_108, %parallel_loop3A_128 : i32
      %parallel_loop3A_130 = arith.select %parallel_loop3A_127, %parallel_loop3A_129, %parallel_loop3A_108 : i32
      %parallel_loop3A_131 = arith.constant 8 : i32
      %parallel_loop3A_132 = arith.constant 0 : i32
      %parallel_loop3A_133 = arith.cmpi eq, %parallel_loop3A_131, %parallel_loop3A_132 : i32
      %parallel_loop3A_134 = arith.constant 1 : i32
      %parallel_loop3A_135 = arith.select %parallel_loop3A_133, %parallel_loop3A_134, %parallel_loop3A_131 : i32
      %parallel_loop3A_136 = arith.remsi %parallel_loop3A_106, %parallel_loop3A_135 : i32
      %parallel_loop3A_137 = arith.constant 0 : i32
      %parallel_loop3A_138 = arith.cmpi ne, %parallel_loop3A_136, %parallel_loop3A_137 : i32
      %parallel_loop3A_139 = arith.constant 0 : i32
      %parallel_loop3A_140 = arith.cmpi slt, %parallel_loop3A_136, %parallel_loop3A_139 : i32
      %parallel_loop3A_141 = arith.constant 0 : i32
      %parallel_loop3A_142 = arith.cmpi slt, %parallel_loop3A_135, %parallel_loop3A_141 : i32
      %parallel_loop3A_143 = arith.xori %parallel_loop3A_140, %parallel_loop3A_142 : i1
      %parallel_loop3A_144 = arith.andi %parallel_loop3A_143, %parallel_loop3A_138 : i1
      %parallel_loop3A_145 = arith.addi %parallel_loop3A_136, %parallel_loop3A_135 : i32
      %parallel_loop3A_146 = arith.select %parallel_loop3A_144, %parallel_loop3A_145, %parallel_loop3A_136 : i32
      %parallel_loop3A_147 = arith.constant 16 : i32
      %parallel_loop3A_148 = arith.muli %parallel_loop3A_106, %parallel_loop3A_147 : i32
      %parallel_loop3A_149 = arith.index_cast %parallel_loop3A_148 : i32 to index
      %parallel_loop3A_150 = tpu.vector_load %arg7[%parallel_loop3A_149] {strides = array<i32>} : memref<4096xi32, #tpu.memory_space<vmem>>, vector<16xi32>,
      %parallel_loop3A_151 = arith.constant 8 : i32
      %parallel_loop3A_152 = arith.muli %select_n3A, %parallel_loop3A_151 : i32
      %parallel_loop3A_153 = arith.constant 0 : i32
      %parallel_loop3A_154 = arith.addi %parallel_loop3A_152, %parallel_loop3A_153 : i32
      %parallel_loop3A_155 = vector.broadcast %parallel_loop3A_154 : i32 to vector<16xi32>
      %parallel_loop3A_156 = tpu.vector_load_idx %arg6[%parallel_loop3A_150, %parallel_loop3A_155] : memref<64x65xf32, #tpu.memory_space<vmem>>[vector<16xi32>, vector<16xi32>], vector<16xf32>,
      %parallel_loop3A_157 = arith.constant 16 : i32
      %parallel_loop3A_158 = arith.muli %parallel_loop3A_146, %parallel_loop3A_157 : i32
      %parallel_loop3A_159 = arith.constant 0 : i32
      %parallel_loop3A_160 = arith.index_cast %parallel_loop3A_130 : i32 to index
      %parallel_loop3A_161 = arith.index_cast %parallel_loop3A_159 : i32 to index
      %parallel_loop3A_162 = arith.index_cast %parallel_loop3A_158 : i32 to index
      %parallel_loop3A_163 = tpu.vector_load %arg8[%parallel_loop3A_160, %parallel_loop3A_161, %parallel_loop3A_162] {strides = array<i32>} : memref<32x8x128xf32, #tpu.memory_space<vmem>>, vector<16xf32>,
      tpu.vector_store %arg8[%parallel_loop3A_160, %parallel_loop3A_161, %parallel_loop3A_162], %parallel_loop3A_156 {strides = array<i32>} : memref<32x8x128xf32, #tpu.memory_space<vmem>>, vector<16xf32>,
      %parallel_loop3A_164 = arith.constant 8 : i32
      %parallel_loop3A_165 = arith.muli %select_n3A, %parallel_loop3A_164 : i32
      %parallel_loop3A_166 = arith.constant 1 : i32
      %parallel_loop3A_167 = arith.addi %parallel_loop3A_165, %parallel_loop3A_166 : i32
      %parallel_loop3A_168 = vector.broadcast %parallel_loop3A_167 : i32 to vector<16xi32>
      %parallel_loop3A_169 = tpu.vector_load_idx %arg6[%parallel_loop3A_150, %parallel_loop3A_168] : memref<64x65xf32, #tpu.memory_space<vmem>>[vector<16xi32>, vector<16xi32>], vector<16xf32>,
      %parallel_loop3A_170 = arith.constant 16 : i32
      %parallel_loop3A_171 = arith.muli %parallel_loop3A_146, %parallel_loop3A_170 : i32
      %parallel_loop3A_172 = arith.constant 1 : i32
      %parallel_loop3A_173 = arith.index_cast %parallel_loop3A_130 : i32 to index
      %parallel_loop3A_174 = arith.index_cast %parallel_loop3A_172 : i32 to index
      %parallel_loop3A_175 = arith.index_cast %parallel_loop3A_171 : i32 to index
      %parallel_loop3A_176 = tpu.vector_load %arg8[%parallel_loop3A_173, %parallel_loop3A_174, %parallel_loop3A_175] {strides = array<i32>} : memref<32x8x128xf32, #tpu.memory_space<vmem>>, vector<16xf32>,
      tpu.vector_store %arg8[%parallel_loop3A_173, %parallel_loop3A_174, %parallel_loop3A_175], %parallel_loop3A_169 {strides = array<i32>} : memref<32x8x128xf32, #tpu.memory_space<vmem>>, vector<16xf32>,
      %parallel_loop3A_177 = arith.constant 8 : i32
      %parallel_loop3A_178 = arith.muli %select_n3A, %parallel_loop3A_177 : i32
      %parallel_loop3A_179 = arith.constant 2 : i32
      %parallel_loop3A_180 = arith.addi %parallel_loop3A_178, %parallel_loop3A_179 : i32
      %parallel_loop3A_181 = vector.broadcast %parallel_loop3A_180 : i32 to vector<16xi32>
      %parallel_loop3A_182 = tpu.vector_load_idx %arg6[%parallel_loop3A_150, %parallel_loop3A_181] : memref<64x65xf32, #tpu.memory_space<vmem>>[vector<16xi32>, vector<16xi32>], vector<16xf32>,
      %parallel_loop3A_183 = arith.constant 16 : i32
      %parallel_loop3A_184 = arith.muli %parallel_loop3A_146, %parallel_loop3A_183 : i32
      %parallel_loop3A_185 = arith.constant 2 : i32
      %parallel_loop3A_186 = arith.index_cast %parallel_loop3A_130 : i32 to index
      %parallel_loop3A_187 = arith.index_cast %parallel_loop3A_185 : i32 to index
      %parallel_loop3A_188 = arith.index_cast %parallel_loop3A_184 : i32 to index
      %parallel_loop3A_189 = tpu.vector_load %arg8[%parallel_loop3A_186, %parallel_loop3A_187, %parallel_loop3A_188] {strides = array<i32>} : memref<32x8x128xf32, #tpu.memory_space<vmem>>, vector<16xf32>,
      tpu.vector_store %arg8[%parallel_loop3A_186, %parallel_loop3A_187, %parallel_loop3A_188], %parallel_loop3A_182 {strides = array<i32>} : memref<32x8x128xf32, #tpu.memory_space<vmem>>, vector<16xf32>,
      %parallel_loop3A_190 = arith.constant 8 : i32
      %parallel_loop3A_191 = arith.muli %select_n3A, %parallel_loop3A_190 : i32
      %parallel_loop3A_192 = arith.constant 3 : i32
      %parallel_loop3A_193 = arith.addi %parallel_loop3A_191, %parallel_loop3A_192 : i32
      %parallel_loop3A_194 = vector.broadcast %parallel_loop3A_193 : i32 to vector<16xi32>
      %parallel_loop3A_195 = tpu.vector_load_idx %arg6[%parallel_loop3A_150, %parallel_loop3A_194] : memref<64x65xf32, #tpu.memory_space<vmem>>[vector<16xi32>, vector<16xi32>], vector<16xf32>,
      %parallel_loop3A_196 = arith.constant 16 : i32
      %parallel_loop3A_197 = arith.muli %parallel_loop3A_146, %parallel_loop3A_196 : i32
      %parallel_loop3A_198 = arith.constant 3 : i32
      %parallel_loop3A_199 = arith.index_cast %parallel_loop3A_130 : i32 to index
      %parallel_loop3A_200 = arith.index_cast %parallel_loop3A_198 : i32 to index
      %parallel_loop3A_201 = arith.index_cast %parallel_loop3A_197 : i32 to index
      %parallel_loop3A_202 = tpu.vector_load %arg8[%parallel_loop3A_199, %parallel_loop3A_200, %parallel_loop3A_201] {strides = array<i32>} : memref<32x8x128xf32, #tpu.memory_space<vmem>>, vector<16xf32>,
      tpu.vector_store %arg8[%parallel_loop3A_199, %parallel_loop3A_200, %parallel_loop3A_201], %parallel_loop3A_195 {strides = array<i32>} : memref<32x8x128xf32, #tpu.memory_space<vmem>>, vector<16xf32>,
      %parallel_loop3A_203 = arith.constant 8 : i32
      %parallel_loop3A_204 = arith.muli %select_n3A, %parallel_loop3A_203 : i32
      %parallel_loop3A_205 = arith.constant 4 : i32
      %parallel_loop3A_206 = arith.addi %parallel_loop3A_204, %parallel_loop3A_205 : i32
      %parallel_loop3A_207 = vector.broadcast %parallel_loop3A_206 : i32 to vector<16xi32>
      %parallel_loop3A_208 = tpu.vector_load_idx %arg6[%parallel_loop3A_150, %parallel_loop3A_207] : memref<64x65xf32, #tpu.memory_space<vmem>>[vector<16xi32>, vector<16xi32>], vector<16xf32>,
      %parallel_loop3A_209 = arith.constant 16 : i32
      %parallel_loop3A_210 = arith.muli %parallel_loop3A_146, %parallel_loop3A_209 : i32
      %parallel_loop3A_211 = arith.constant 4 : i32
      %parallel_loop3A_212 = arith.index_cast %parallel_loop3A_130 : i32 to index
      %parallel_loop3A_213 = arith.index_cast %parallel_loop3A_211 : i32 to index
      %parallel_loop3A_214 = arith.index_cast %parallel_loop3A_210 : i32 to index
      %parallel_loop3A_215 = tpu.vector_load %arg8[%parallel_loop3A_212, %parallel_loop3A_213, %parallel_loop3A_214] {strides = array<i32>} : memref<32x8x128xf32, #tpu.memory_space<vmem>>, vector<16xf32>,
      tpu.vector_store %arg8[%parallel_loop3A_212, %parallel_loop3A_213, %parallel_loop3A_214], %parallel_loop3A_208 {strides = array<i32>} : memref<32x8x128xf32, #tpu.memory_space<vmem>>, vector<16xf32>,
      %parallel_loop3A_216 = arith.constant 8 : i32
      %parallel_loop3A_217 = arith.muli %select_n3A, %parallel_loop3A_216 : i32
      %parallel_loop3A_218 = arith.constant 5 : i32
      %parallel_loop3A_219 = arith.addi %parallel_loop3A_217, %parallel_loop3A_218 : i32
      %parallel_loop3A_220 = vector.broadcast %parallel_loop3A_219 : i32 to vector<16xi32>
      %parallel_loop3A_221 = tpu.vector_load_idx %arg6[%parallel_loop3A_150, %parallel_loop3A_220] : memref<64x65xf32, #tpu.memory_space<vmem>>[vector<16xi32>, vector<16xi32>], vector<16xf32>,
      %parallel_loop3A_222 = arith.constant 16 : i32
      %parallel_loop3A_223 = arith.muli %parallel_loop3A_146, %parallel_loop3A_222 : i32
      %parallel_loop3A_224 = arith.constant 5 : i32
      %parallel_loop3A_225 = arith.index_cast %parallel_loop3A_130 : i32 to index
      %parallel_loop3A_226 = arith.index_cast %parallel_loop3A_224 : i32 to index
      %parallel_loop3A_227 = arith.index_cast %parallel_loop3A_223 : i32 to index
      %parallel_loop3A_228 = tpu.vector_load %arg8[%parallel_loop3A_225, %parallel_loop3A_226, %parallel_loop3A_227] {strides = array<i32>} : memref<32x8x128xf32, #tpu.memory_space<vmem>>, vector<16xf32>,
      tpu.vector_store %arg8[%parallel_loop3A_225, %parallel_loop3A_226, %parallel_loop3A_227], %parallel_loop3A_221 {strides = array<i32>} : memref<32x8x128xf32, #tpu.memory_space<vmem>>, vector<16xf32>,
      %parallel_loop3A_229 = arith.constant 8 : i32
      %parallel_loop3A_230 = arith.muli %select_n3A, %parallel_loop3A_229 : i32
      %parallel_loop3A_231 = arith.constant 6 : i32
      %parallel_loop3A_232 = arith.addi %parallel_loop3A_230, %parallel_loop3A_231 : i32
      %parallel_loop3A_233 = vector.broadcast %parallel_loop3A_232 : i32 to vector<16xi32>
      %parallel_loop3A_234 = tpu.vector_load_idx %arg6[%parallel_loop3A_150, %parallel_loop3A_233] : memref<64x65xf32, #tpu.memory_space<vmem>>[vector<16xi32>, vector<16xi32>], vector<16xf32>,
      %parallel_loop3A_235 = arith.constant 16 : i32
      %parallel_loop3A_236 = arith.muli %parallel_loop3A_146, %parallel_loop3A_235 : i32
      %parallel_loop3A_237 = arith.constant 6 : i32
      %parallel_loop3A_238 = arith.index_cast %parallel_loop3A_130 : i32 to index
      %parallel_loop3A_239 = arith.index_cast %parallel_loop3A_237 : i32 to index
      %parallel_loop3A_240 = arith.index_cast %parallel_loop3A_236 : i32 to index
      %parallel_loop3A_241 = tpu.vector_load %arg8[%parallel_loop3A_238, %parallel_loop3A_239, %parallel_loop3A_240] {strides = array<i32>} : memref<32x8x128xf32, #tpu.memory_space<vmem>>, vector<16xf32>,
      tpu.vector_store %arg8[%parallel_loop3A_238, %parallel_loop3A_239, %parallel_loop3A_240], %parallel_loop3A_234 {strides = array<i32>} : memref<32x8x128xf32, #tpu.memory_space<vmem>>, vector<16xf32>,
      %parallel_loop3A_242 = arith.constant 8 : i32
      %parallel_loop3A_243 = arith.muli %select_n3A, %parallel_loop3A_242 : i32
      %parallel_loop3A_244 = arith.constant 7 : i32
      %parallel_loop3A_245 = arith.addi %parallel_loop3A_243, %parallel_loop3A_244 : i32
      %parallel_loop3A_246 = vector.broadcast %parallel_loop3A_245 : i32 to vector<16xi32>
      %parallel_loop3A_247 = tpu.vector_load_idx %arg6[%parallel_loop3A_150, %parallel_loop3A_246] : memref<64x65xf32, #tpu.memory_space<vmem>>[vector<16xi32>, vector<16xi32>], vector<16xf32>,
      %parallel_loop3A_248 = arith.constant 16 : i32
      %parallel_loop3A_249 = arith.muli %parallel_loop3A_146, %parallel_loop3A_248 : i32
      %parallel_loop3A_250 = arith.constant 7 : i32
      %parallel_loop3A_251 = arith.index_cast %parallel_loop3A_130 : i32 to index
      %parallel_loop3A_252 = arith.index_cast %parallel_loop3A_250 : i32 to index
      %parallel_loop3A_253 = arith.index_cast %parallel_loop3A_249 : i32 to index
      %parallel_loop3A_254 = tpu.vector_load %arg8[%parallel_loop3A_251, %parallel_loop3A_252, %parallel_loop3A_253] {strides = array<i32>} : memref<32x8x128xf32, #tpu.memory_space<vmem>>, vector<16xf32>,
      tpu.vector_store %arg8[%parallel_loop3A_251, %parallel_loop3A_252, %parallel_loop3A_253], %parallel_loop3A_247 {strides = array<i32>} : memref<32x8x128xf32, #tpu.memory_space<vmem>>, vector<16xf32>,
    } {sc.loop_unroll_factor = 4 : i64, sc.parallel_access}
    %add3A_62 = arith.constant 16 : i32
    %add3A_63 = arith.addi %add3A_41, %add3A_62 : i32
    %dma_start3A_64 = arith.constant 16 : i32
    %dma_start3A_65 = arith.constant 0 : i32
    %dma_start3A_66 = arith.constant 0 : i32
    %dma_start3A_67 = tpu.memref_slice %arg8[%dma_start3A_64, %dma_start3A_65, %dma_start3A_66] : memref<32x8x128xf32, #tpu.memory_space<vmem>> -> memref<16x8x128xf32, #tpu.memory_space<vmem>>
    %dma_start3A_68 = arith.constant 0 : i32
    %dma_start3A_69 = arith.constant 0 : i32
    %dma_start3A_70 = tpu.memref_slice %arg4[%add3A_63, %dma_start3A_68, %dma_start3A_69] : memref<1024x8x128xf32, #tpu.memory_space<hbm>> -> memref<16x8x128xf32, #tpu.memory_space<hbm>>
    %dma_start3A_71 = arith.constant 0 : i32
    %dma_start3A_72 = arith.constant 0 : i32
    %dma_start3A_73 = tpu.memref_slice %arg4[%add3A_63, %dma_start3A_71, %dma_start3A_72] : memref<1024x8x128xf32, #tpu.memory_space<hbm>> -> memref<16x8x128xf32, #tpu.memory_space<hbm>>
    %dma_start3A_74 = arith.constant 16 : i32
    %dma_start3A_75 = arith.constant 0 : i32
    %dma_start3A_76 = arith.constant 0 : i32
    %dma_start3A_77 = tpu.memref_slice %arg8[%dma_start3A_74, %dma_start3A_75, %dma_start3A_76] : memref<32x8x128xf32, #tpu.memory_space<vmem>> -> memref<16x8x128xf32, #tpu.memory_space<vmem>>
    tpu.enqueue_dma source(%dma_start3A_77 : memref<16x8x128xf32, #tpu.memory_space<vmem>>) target(%dma_start3A_73 : memref<16x8x128xf32, #tpu.memory_space<hbm>>) target_semaphore(%arg12 : memref<!tpu.dma_semaphore, #tpu.memory_space<semaphore_mem>>)
    %dma_wait3A_78 = arith.constant 0 : i32
    %dma_wait3A_79 = arith.constant 0 : i32
    %dma_wait3A_80 = arith.constant 0 : i32
    %dma_wait3A_81 = tpu.memref_slice %arg8[%dma_wait3A_78, %dma_wait3A_79, %dma_wait3A_80] : memref<32x8x128xf32, #tpu.memory_space<vmem>> -> memref<16x8x128xf32, #tpu.memory_space<vmem>>
    %dma_wait3A_82 = arith.constant 0 : i32
    %dma_wait3A_83 = arith.constant 0 : i32
    %dma_wait3A_84 = tpu.memref_slice %arg4[%add3A_41, %dma_wait3A_82, %dma_wait3A_83] : memref<1024x8x128xf32, #tpu.memory_space<hbm>> -> memref<16x8x128xf32, #tpu.memory_space<hbm>>
    %dma_wait3A_85 = arith.constant 0 : i32
    %dma_wait3A_86 = arith.constant 0 : i32
    %dma_wait3A_87 = tpu.memref_slice %arg4[%add3A_41, %dma_wait3A_85, %dma_wait3A_86] : memref<1024x8x128xf32, #tpu.memory_space<hbm>> -> memref<16x8x128xf32, #tpu.memory_space<hbm>>
    %dma_wait3A_88 = arith.constant 0 : i32
    %dma_wait3A_89 = arith.constant 0 : i32
    %dma_wait3A_90 = arith.constant 0 : i32
    %dma_wait3A_91 = tpu.memref_slice %arg8[%dma_wait3A_88, %dma_wait3A_89, %dma_wait3A_90] : memref<32x8x128xf32, #tpu.memory_space<vmem>> -> memref<16x8x128xf32, #tpu.memory_space<vmem>>
    tpu.wait_dma2 semaphore(%arg11 : memref<!tpu.dma_semaphore, #tpu.memory_space<semaphore_mem>>) src(%dma_wait3A_91 : memref<16x8x128xf32, #tpu.memory_space<vmem>>) dst(%dma_wait3A_87 : memref<16x8x128xf32, #tpu.memory_space<hbm>>)
    %dma_wait3A_92 = arith.constant 16 : i32
    %dma_wait3A_93 = arith.constant 0 : i32
    %dma_wait3A_94 = arith.constant 0 : i32
    %dma_wait3A_95 = tpu.memref_slice %arg8[%dma_wait3A_92, %dma_wait3A_93, %dma_wait3A_94] : memref<32x8x128xf32, #tpu.memory_space<vmem>> -> memref<16x8x128xf32, #tpu.memory_space<vmem>>
    %dma_wait3A_96 = arith.constant 0 : i32
    %dma_wait3A_97 = arith.constant 0 : i32
    %dma_wait3A_98 = tpu.memref_slice %arg4[%add3A_63, %dma_wait3A_96, %dma_wait3A_97] : memref<1024x8x128xf32, #tpu.memory_space<hbm>> -> memref<16x8x128xf32, #tpu.memory_space<hbm>>
    %dma_wait3A_99 = arith.constant 0 : i32
    %dma_wait3A_100 = arith.constant 0 : i32
    %dma_wait3A_101 = tpu.memref_slice %arg4[%add3A_63, %dma_wait3A_99, %dma_wait3A_100] : memref<1024x8x128xf32, #tpu.memory_space<hbm>> -> memref<16x8x128xf32, #tpu.memory_space<hbm>>
    %dma_wait3A_102 = arith.constant 16 : i32
    %dma_wait3A_103 = arith.constant 0 : i32
    %dma_wait3A_104 = arith.constant 0 : i32
    %dma_wait3A_105 = tpu.memref_slice %arg8[%dma_wait3A_102, %dma_wait3A_103, %dma_wait3A_104] : memref<32x8x128xf32, #tpu.memory_space<vmem>> -> memref<16x8x128xf32, #tpu.memory_space<vmem>>
    tpu.wait_dma2 semaphore(%arg12 : memref<!tpu.dma_semaphore, #tpu.memory_space<semaphore_mem>>) src(%dma_wait3A_105 : memref<16x8x128xf32, #tpu.memory_space<vmem>>) dst(%dma_wait3A_101 : memref<16x8x128xf32, #tpu.memory_space<hbm>>)
    return
  }
}

</mosaic_0001>

<sc_bundles>
// kernel: kernel.3.cloned.1.call-start
scs
__scs_entry_jumppad:
0x0: {  	(pc) =	sbr.rel $0x88, $3  }
0x1: {  	(tag) =	ssettag $0x0;
	lr =	simm.s32 $0x1  }
0x2: {  	[smem:$0x3F9F] =	sst lr;
	_ =	strace $0xD0000000  }
0x3: {  	_ = 	snop  }
0x4: {  	_ = 	snop  }
0x5: {  	_ = 	snop  }
0x6: {  	_ = 	snop  }
0x7: {  	_ = 	snop  }
__scs_overlays_trampoline_lowered:
0x8: {  	[smem:$0x3FAE] =	sst s0  }
0x9: {  	[smem:$0x3FAF] =	sst s1  }
0xa: {  	[smem:$0x3FB0] =	sst s2  }
0xb: {  	[smem:$0x3FB1] =	sst s3  }
0xc: {  	[smem:$0x3FB2] =	sst s4  }
0xd: {  	[smem:$0x3FB3] =	sst s5  }
0xe: {  	[smem:$0x3FB4] =	sst s6  }
0xf: {  	[smem:$0x3FB5] =	sst s7  }
0x10: {  	[smem:$0x3FB6] =	sst s8  }
0x11: {  	[smem:$0x3FB7] =	sst s9;
	s0 =	simm.s32 @!p0 $0x0  }
0x12: {  	s1 =	sld [smem:$0x3F9D];
	s0 =	simm.s32 @p0 $0x1  }
0x13: {  	[smem:$0x3FB8] =	sst s0;
	s0 =	simm.s32 @!p1 $0x0  }
0x14: {  	s2 =	sld [smem:$0x3F9C];
	s0 =	simm.s32 @p1 $0x1  }
0x15: {  	[smem:$0x3FB9] =	sst s0;
	s0 =	simm.s32 @!p2 $0x0  }
0x16: {  	s3 =	sld [smem:$0x3FDB];
	s0 =	simm.s32 @p2 $0x1  }
0x17: {  	s4 =	simm.s32 $0x1BF5;
	[smem:$0x3FBB] =	sst s0  }
0x18: {  	s0 =	sld [smem:$0x3F9E];
	_ =	swait.ge [sflag:s4], $0x0  }
0x19: {  	s7 =	sld [smem:$0x3F9F]  }
0x1a: {  	s8 =	sadd.s32 $0xFFFFE003, lr  }
0x1b: {  	s9 =	sadd.s32 $0xFFFFFEF7, lr;
	s5 =	simm.s32 $0xFFFFFFFF;
	p2 =	slt.u32 s8, $0xFFFFF086  }
0x1c: {  	p1 =	slt.u32 s9, $0xF7A;
	s5 =	simm.s32 @!p2 $0x0  }
0x1d: {  	s5 =	simm.s32 @p1 $0x1;
	p0 =	seq.s32 s7, s2  }
0x1e: {  	s7 =	smul.u32 @!p0 $0xF7A, s2;
	p2 =	seq.s32 @!p0 s5, $0x0  }
0x1f: {  	s9 =	smul.u32 $0xF7A, s1;
	s8 =	simm.s32 @!p0 $0x1BF5;
	p2 =	por !p2, p0  }
0x20: {  	[sflag:s8] =	ssyncset.s32 @!p0 $0xFFFFF086;
	s6 =	sadd.s32 @!p0 s3, s7;
	s7 =	simm.s32 @!p0 $0x108  }
0x21: {  	s3 =	sadd.s32 s3, s9;
	s6 =	sadd.s32 @!p0 $0x88, s6;
	s7 =	simm.s32 @p2 $0x1082  }
0x22: {  	[simem:s7], [sflag:s8] =	dma.local @!p0 [hbm:s6], $0xF7A  }
0x23: {  	s9 =	sor.u32 $0xD0000000, s2;
	s6 =	simm.s32 $0x108;
	_ =	swait.ge @!p0 [sflag:s8], $0x0  }
0x24: {  	s3 =	sadd.s32 $0x88, s3;
	s6 =	simm.s32 @!p1 $0x1082;
	[sflag:s4] =	ssyncset.s32 $0xFFFFF086  }
0x25: {  	[simem:s6], [sflag:s4] =	dma.local [hbm:s3], $0xF7A  }
0x26: {  	[smem:$0x3F9F] =	sst s1;
	(tag) =	ssettag s2;
	_ =	strace s9  }
0x27: {  	s1 =	sld [smem:$0x3FAF]  }
0x28: {  	s2 =	sld [smem:$0x3FB0]  }
0x29: {  	s4 =	sld [smem:$0x3FB2]  }
0x2a: {  	p0 =	seq.s32 s5, $0x0;
	s5 =	sld [smem:$0x3FB3]  }
0x2b: {  	s6 =	sld [smem:$0x3FB4]  }
0x2c: {  	s7 =	sld [smem:$0x3FB5]  }
0x2d: {  	s3 =	simm.s32 $0x108;
	s8 =	sld [smem:$0x3FB6]  }
0x2e: {  	s3 =	simm.s32 @!p0 $0x1082;
	s9 =	sld [smem:$0x3FB7]  }
0x2f: {  	lr =	sadd.s32 s0, s3;
	s0 =	sld [smem:$0x3FAE]  }
0x30: {  	s3 =	sld [smem:$0x3FB1]  }
0x31: {  	[smem:$0x3FBA] =	sst s10  }
0x32: {  	s10 =	sld [smem:$0x3FB8];
	_ =	sdelay $0x3  }
0x33: {  	p0 =	seq.s32 s10, $0x1;
	s10 =	sld [smem:$0x3FBA];
	_ =	sdelay $0x3  }
0x34: {  	[smem:$0x3FBA] =	sst s10  }
0x35: {  	s10 =	sld [smem:$0x3FB9];
	_ =	sdelay $0x3  }
0x36: {  	p1 =	seq.s32 s10, $0x1;
	s10 =	sld [smem:$0x3FBA];
	_ =	sdelay $0x3  }
0x37: {  	[smem:$0x3FBA] =	sst s10  }
0x38: {  	s10 =	sld [smem:$0x3FBB]  }
0x39: {  	_ = 	snop;
	(pc) =	sbr.ind lr, $3  }
0x3a: {  	_ = 	snop  }
0x3b: {  	_ = 	snop  }
0x3c: {  	p2 =	seq.s32 s10, $0x1;
	s10 =	sld [smem:$0x3FBA]  }
0x3d: {  	_ =	shalt  }
0x3e: {  	_ =	shalt  }
0x3f: {  	_ =	shalt  }
0x40: {  	_ =	shalt  }
0x41: {  	_ =	shalt  }
0x42: {  	_ =	shalt  }
0x43: {  	_ =	shalt  }
0x44: {  	_ =	shalt  }
0x45: {  	_ =	shalt  }
0x46: {  	_ =	shalt  }
0x47: {  	_ =	shalt  }
0x48: {  	_ =	shalt  }
0x49: {  	_ =	shalt  }
0x4a: {  	_ =	shalt  }
0x4b: {  	_ =	shalt  }
0x4c: {  	_ =	shalt  }
0x4d: {  	_ =	shalt  }
0x4e: {  	_ =	shalt  }
0x4f: {  	_ =	shalt  }
0x50: {  	_ =	shalt  }
0x51: {  	_ =	shalt  }
0x52: {  	_ =	shalt  }
0x53: {  	_ =	shalt  }
0x54: {  	_ =	shalt  }
0x55: {  	_ =	shalt  }
0x56: {  	_ =	shalt  }
0x57: {  	_ =	shalt  }
0x58: {  	_ =	shalt  }
0x59: {  	_ =	shalt  }
0x5a: {  	_ =	shalt  }
0x5b: {  	_ =	shalt  }
0x5c: {  	_ =	shalt  }
0x5d: {  	_ =	shalt  }
0x5e: {  	_ =	shalt  }
0x5f: {  	_ =	shalt  }
0x60: {  	_ =	shalt  }
0x61: {  	_ =	shalt  }
0x62: {  	_ =	shalt  }
0x63: {  	_ =	shalt  }
0x64: {  	_ =	shalt  }
0x65: {  	_ =	shalt  }
0x66: {  	_ =	shalt  }
0x67: {  	_ =	shalt  }
0x68: {  	_ =	shalt  }
0x69: {  	_ =	shalt  }
0x6a: {  	_ =	shalt  }
0x6b: {  	_ =	shalt  }
0x6c: {  	_ =	shalt  }
0x6d: {  	_ =	shalt  }
0x6e: {  	_ =	shalt  }
0x6f: {  	_ =	shalt  }
0x70: {  	_ =	shalt  }
0x71: {  	_ =	shalt  }
0x72: {  	_ =	shalt  }
0x73: {  	_ =	shalt  }
0x74: {  	_ =	shalt  }
0x75: {  	_ =	shalt  }
0x76: {  	_ =	shalt  }
0x77: {  	_ =	shalt  }
0x78: {  	_ =	shalt  }
0x79: {  	_ =	shalt  }
0x7a: {  	_ =	shalt  }
0x7b: {  	_ =	shalt  }
0x7c: {  	_ =	shalt  }
0x7d: {  	_ =	shalt  }
0x7e: {  	_ =	shalt  }
0x7f: {  	_ =	shalt  }
0x80: {  	_ =	shalt  }
0x81: {  	_ =	shalt  }
0x82: {  	_ =	shalt  }
0x83: {  	_ =	shalt  }
0x84: {  	_ =	shalt  }
0x85: {  	_ =	shalt  }
0x86: {  	_ =	shalt  }
0x87: {  	_ =	shalt  }
.Lfunc_end0:
.L_simem_size_0:
called_computation_lowered:
.L_overlay_start_0:
0x88: {  	s2 =	sld [smem:$0x3FD9]  }
0x89: {  	s3 =	sld [smem:$0x3FFE];
	_ =	sdelay $0x1  }
0x8a: {  	s1 =	srdreg.scid  }
0x8b: {  	s0 =	sand.u32 $0x1, s1  }
0x8c: {  	s17 =	sshll.u32 s0, $0xA;
	s2 =	sadd.s32 s3, s2  }
0x8d: {  	s2 =	sadd.s32 s2, s17  }
0x8e: {  	[smem:$0x3FC6] =	sst s2  }
0x8f: {  	_ = 	snop  }
0x90: {  	s2 =	sld [smem:$0x3FC9]  }
0x91: {  	s18 =	sld [smem:$0x3FD0];
	(tm) =	ssettm $0x1  }
0x92: {  	s4 =	sld [smem:$0x3FFB];
	_ =	sdelay $0x3  }
0x93: {  	_ =	strace s4  }
0x94: {  	s4 =	sld [smem:$0x3FFC];
	_ =	sdelay $0x3  }
0x95: {  	_ =	strace s4  }
0x96: {  	s4 =	sld [smem:$0x3FFD];
	_ =	sdelay $0x3  }
0x97: {  	_ =	strace s4  }
0x98: {  	_ =	strace $0x8FFFFFFF  }
0x99: {  	s19 =	sld [smem:$0x3FDB];
	_ =	sdelay $0x1  }
0x9a: {  	s5 =	simm.s32 $_scs_section_size  }
0x9b: {  	s6 =	simm.s32 $_size__tile_overlayer_lowered;
	s7 =	simm.s32 $_tile_overlayer_lowered  }
0x9c: {  	s22 =	simm.s32 $0x1BFF;
	s21 =	sshll.u32 s7, $0x1;
	s4 =	sadd.s32 s5, s19  }
0x9d: {  	s8 =	simm.s32 $0x0;
	s20 =	sshll.u32 s6, $0x1;
	s6 =	sadd.s32 s21, s4  }
0x9e: {  	[timem:s8], [sflag:s22] =	dma.local [hbm:s6], s20  }
0x9f: {  	_ =	swait.ge [sflag:s22], s20  }
0xa0: {  	s5 =	ssub.s32 $0x0, s20;
	[sflag:s22] =	ssyncset.done $0x0  }
0xa1: {  	[sflag:s22] =	ssyncadd.s32 s5;
	_ =	sdelay $0x1  }
0xa2: {  	s23 =	simm.s32 $0x1B8B  }
0xa3: {  	_ =	swait.ge [sflag:s23], $0x1  }
0xa4: {  	[sflag:s23] =	ssyncset.done $0x0  }
0xa5: {  	s25 =	simm.s32 $0x1B8E;
	s24 =	sld [smem:$0x3FFE];
	[sflag:s23] =	ssyncadd.s32 $0xFFFFFFFF  }
0xa6: {  	s26 =	simm.s32 $execute0_lowered;
	[smem:$0x3FD2] =	sst s25  }
0xa7: {  	s6 =	sshll.u32 s26, $0x1;
	_ =	strace $0x80000046;
	[dreg:$0x1] =	wrdreg $0xFFFFFFFF  }
0xa8: {  	s28 =	simm.s32 $_size_execute0_lowered;
	s4 =	sadd.s32 s4, s6;
	[dreg:$0x0] =	wrdreg $0x0  }
0xa9: {  	s6 =	sshll.u32 s28, $0x1;
	[dreg:$0x2] =	wrdreg s4  }
0xaa: {  	[dreg:$0x3] =	wrdreg s6  }
0xab: {  	[dreg:$0x4] =	wrdreg $0xC0  }
0xac: {  	_ =	task [dreg:s8], $0x5FFFF  }
0xad: {  	[dreg:$0x1] =	wrdreg $0xFFFFFFFF  }
0xae: {  	[dreg:$0x0] =	wrdreg $0x60  }
0xaf: {  	[dreg:$0x2] =	wrdreg s24  }
0xb0: {  	[dreg:$0x3] =	wrdreg s2  }
0xb1: {  	[dreg:$0x4] =	wrdreg s18  }
0xb2: {  	[dreg:$0x5] =	wrdreg $0x9  }
0xb3: {  	_ =	task.clear_ibuf [dreg:s8], $0x6FFFF;
	_ =	strace $0x90000046  }
0xb4: {  	s29 =	simm.s32 $0x9;
	_ =	strace $0x80000048  }
0xb5: {  	_ =	swait.ge [sflag:s29], $0x1  }
0xb6: {  	[sflag:s29] =	ssyncadd.s32 $0xFFFFFFFF  }
0xb7: {  	_ =	strace $0x90000048  }
0xb8: {  	_ =	sfence  }
0xb9: {  	s30 =	sld [smem:$0x0];
	_ =	sdelay $0x2  }
0xba: {  	s31 =	sshll.u32 s1, $0xD;
	s1 =	sshrl.u32 s1, $0x2  }
0xbb: {  	s3 =	sand.u32 $0x4000, s31;
	s1 =	sadd.s32 s1, s30  }
0xbc: {  	s0 =	sor.u32 s3, s0;
	s1 =	sshll.u32 s1, $0x11  }
0xbd: {  	s0 =	sor.u32 s1, s0  }
0xbe: {  	s0 =	sadd.s32 $0x8F2B, s0  }
0xbf: {  	[sflag:s0] =	ssyncadd.remote.s32 $0x1  }
0xc0: {  	_ =	sfence.sel $0xFFFF  }
0xc1: {  	[dreg:$0x0] =	wrdreg $0xFFFFFFFF;
	(pc) =	sbr.abs _section_cstart, $3  }
0xc2: {  	[dreg:$0x1] =	wrdreg $0xFFFFFFFF  }
0xc3: {  	_ =	task.clear_ibuf [dreg:s8], $0x2FFFF;
	_ =	strace $0x9FFFFFFF  }
0xc4: {  	(tm) =	ssettm $0x7FFFFFFF  }
0xc5: {  	_ =	shalt  }
tec
execute0_lowered:
.L_overlay_start_1:
0x0: {  	(tag) =	ssettag $0x1  }
0x1: {  	s3 =	rddreg [dreg:$0x0]  }
0x2: {  	s5 =	rddreg [dreg:$0x1]  }
0x3: {  	s4 =	rddreg [dreg:$0x2];
	s0 =	stileid.u32  }
0x4: {  	s2 =	simm.s32 $0x0;
	s6 =	srdreg.scid;
	s8 =	sshll.u32 s0, $0x2  }
0x5: {  	v1 =	vimm.s32 $0x0;
	vm0 =	vcmask $0x300;
	s11 =	simm.s32 $0x2000;
	s12 =	simm.s32 $0x4200;
	s13 =	simm.s32 $0x8200;
	v0 =	vmov s8  }
0x6: {  	s14 =	simm.s32 $0x3;
	s15 =	simm.s32 $0x4;
	s16 =	simm.s32 $0x0;
	v1 =	vsel vm0, $0x3, v1;
	v0 =	vshrl.u32 v0, $0x3  }
0x7: {  	s7 =	sshll.u32 s0, $0x1;
	[smem:$0x7FF] =	sst s2;
	s6 =	sand.u32 $0x1, s6;
	v6 =	vshll.u32 v0, v1  }
0x8: {  	s29 =	sshll.u32 s0, $0xD;
	s3 =	sadd.s32 $0x400, s3;
	s7 =	sand.u32 $0x2, s7;
	v1 =	vor.u32 $0x1, v6  }
0x9: {  	_ =	strace $0x80000047;
	s7 =	sor.u32 s6, s7;
	s6 =	ssub.s32 $0x2, s6;
	v0 =	vbroadcast v6, $0x0;
	v2 =	vor.u32 $0x2, v6;
	v3 =	vor.u32 $0x3, v6  }
0xa: {  	s8 =	sand.u32 $0x1C000, s29;
	s9 =	sshll.u32 s7, $0xC;
	s10 =	sshrl.u32 s6, $0x1;
	v4 =	vor.u32 $0x4, v6;
	v5 =	vor.u32 $0x5, v6;
	v1 =	vbroadcast v1, $0x0  }
0xb: {  	s31 =	sshll.u32 s7, $0x9;
	s8 =	sor.u32 s8, s9;
	s30 =	ssub.s32 s6, s10;
	v7 =	vor.u32 $0x6, v6;
	v2 =	vbroadcast v2, $0x0;
	v3 =	vbroadcast v3, $0x0  }
0xc: {  	s5 =	sadd.s32 s5, s31;
	s9 =	simm.s32 $0x1;
	v8 =	vor.u32 $0x7, v6;
	s4 =	sadd.s32 s4, s8;
	v4 =	vbroadcast v4, $0x0;
	v5 =	vbroadcast v5, $0x0  }
0xd: {  	s10 =	simm.s32 $0x2;
	s7 =	smax.u32 s30, $0x1;
	v6 =	vbroadcast v7, $0x0;
	v7 =	vbroadcast v8, $0x0;
	s6 =	sadd.s32 $0x800, s4  }
.LBB2_1:
0xe: {  	s0 =	simm.s32 $0x3200  }
0xf: {  	[tilespmem:s0], [sflag:$0x2] =	stream.linear.gather [hbm4b:s5+s2], $0x1000, $0x38;
	[tilespmem:$0xC200] =	vst v63  }
0x10: {  	_ = 	snop  }
0x11: {  	[tilespmem:s2], [sflag:$0x1] =	stream.linear.gather [hbm4b:s3+s2], $0x2000, $0x38;
	[tilespmem:$0xC200] =	vst v63  }
0x12: {  	_ =	swait.ge [sflag:s9], $0x2000  }
0x13: {  	[sflag:s9] =	ssyncset.done $0x0  }
0x14: {  	s17 =	simm.s32 $0x80;
	[sflag:s9] =	ssyncadd.s32 $0xFFFFE000  }
0x15: {  	v30 =	vld [tilespmem:s17+$0x0]  }
0x16: {  	v29 =	vld [tilespmem:s17+$0x10];
	_ =	sdelay $0x1  }
0x17: {  	v28 =	vld [tilespmem:s17+$0x20]  }
0x18: {  	v10 =	vld [tilespmem:s17+$0xFFFFFF90]  }
0x19: {  	v31 =	vld [tilespmem:s17+$0x30]  }
0x1a: {  	v13 =	vld [tilespmem:s17+$0xFFFFFF80];
	v8 =	vmul.f32 v30, v30;
	v9 =	vmul.f32 v29, v29;
	_ =	sdelay $0x1  }
0x1b: {  	v14 =	vld [tilespmem:s17+$0xFFFFFFA0];
	v8 =	vadd.f32 v9, v8;
	v9 =	vmul.f32 v28, v28;
	_ =	sdelay $0x1  }
0x1c: {  	v15 =	vld [tilespmem:s17+$0xFFFFFFB0];
	v8 =	vadd.f32 v9, v8;
	v9 =	vmul.f32 v31, v31  }
0x1d: {  	v11 =	vmul.f32 v10, v10;
	v12 =	vmul.f32 v13, v13  }
0x1e: {  	v8 =	vadd.f32 v9, v8  }
0x1f: {  	v9 =	vadd.f32 v11, v12;
	v11 =	vmul.f32 v14, v14  }
0x20: {  	(xrf2) =	vadd.scan.msk.f32 $0xffff, v8  }
0x21: {  	v8 =	vmul.f32 v15, v15;
	v9 =	vadd.f32 v11, v9;
	_ =	sdelay $0x1  }
0x22: {  	v8 =	vadd.f32 v8, v9;
	_ =	sdelay $0x1  }
0x23: {  	(xrf2) =	vadd.scan.msk.f32 $0xffff, v8;
	_ =	sdelay $0x4  }
0x24: {  	v8, _, _ =	vpop (xrf2)  }
0x25: {  	(v2sf) =	vpush v8, $0xF;
	_ =	sdelay $0x3  }
0x26: {  	v9, _, _ =	vpop (xrf2)  }
0x27: {  	s26 =	simm.s32 $0x180;
	(v2sf) =	vpush v9, $0xF  }
0x28: {  	v17 =	vld [tilespmem:s26+$0x0]  }
0x29: {  	v16 =	vld [tilespmem:s26+$0x10]  }
0x2a: {  	v18 =	vld [tilespmem:s26+$0x20]  }
0x2b: {  	v11 =	vld [tilespmem:s26+$0xFFFFFF80]  }
0x2c: {  	v8 =	vld [tilespmem:s26+$0xFFFFFF90]  }
0x2d: {  	v22 =	vld [tilespmem:s26+$0x30]  }
0x2e: {  	v19 =	vmul.f32 v17, v17;
	v20 =	vmul.f32 v16, v16;
	v12 =	vld [tilespmem:s26+$0xFFFFFFA0];
	_ =	sdelay $0x1  }
0x2f: {  	v19 =	vadd.f32 v20, v19;
	v20 =	vmul.f32 v18, v18;
	v9 =	vld [tilespmem:s26+$0xFFFFFFB0]  }
0x30: {  	v23 =	vmul.f32 v11, v11;
	v21 =	vmul.f32 v8, v8;
	s18 =	spop (v2sf)  }
0x31: {  	v19 =	vadd.f32 v20, v19;
	s30 =	sshra.s32 s18, $0x1;
	s19 =	smul.f32 $5.000000000e-01, s18  }
0x32: {  	v20 =	vmul.f32 v22, v22;
	v21 =	vadd.f32 v21, v23;
	v23 =	vmul.f32 v12, v12;
	s17 =	ssub.s32 $0x5F3759DF, s30  }
0x33: {  	s20 =	smul.f32 s17, s19  }
0x34: {  	v19 =	vadd.f32 v20, v19;
	v20 =	vmul.f32 v9, v9;
	v21 =	vadd.f32 v23, v21  }
0x35: {  	s21 =	spop (v2sf);
	s20 =	smul.f32 s17, s20  }
0x36: {  	(xrf2) =	vadd.scan.msk.f32 $0xffff, v19;
	v19 =	vadd.f32 v20, v21;
	s23 =	sshra.s32 s21, $0x1;
	s22 =	smul.f32 $5.000000000e-01, s21  }
0x37: {  	s23 =	ssub.s32 $0x5F3759DF, s23;
	s20 =	ssub.f32 $1.500000000e+00, s20  }
0x38: {  	(xrf2) =	vadd.scan.msk.f32 $0xffff, v19;
	s24 =	smul.f32 s23, s22  }
0x39: {  	s17 =	smul.f32 s17, s20  }
0x3a: {  	s31 =	smul.f32 s23, s24  }
0x3b: {  	s0 =	smul.f32 s17, s19  }
0x3c: {  	s20 =	ssub.f32 $1.500000000e+00, s31  }
0x3d: {  	s24 =	smul.f32 s0, s17  }
0x3e: {  	s20 =	smul.f32 s23, s20  }
0x3f: {  	s25 =	simm.s32 $0x280;
	s1 =	ssub.f32 $1.500000000e+00, s24  }
0x40: {  	v21 =	vld [tilespmem:s25+$0x10];
	v19, _, _ =	vpop (xrf2);
	s8 =	smul.f32 s20, s22  }
0x41: {  	(v2sf) =	vpush v19, $0xF;
	v19 =	vld [tilespmem:s25+$0x0];
	s17 =	smul.f32 s1, s17  }
0x42: {  	v20, _, _ =	vpop (xrf2);
	s24 =	smul.f32 s8, s20  }
0x43: {  	(v2sf) =	vpush v20, $0xF;
	v20 =	vld [tilespmem:s25+$0x20];
	s26 =	smul.f32 s17, s19;
	_ =	sdelay $0x1  }
0x44: {  	v23 =	vld [tilespmem:s25+$0x30];
	s23 =	ssub.f32 $1.500000000e+00, s24;
	s24 =	smul.f32 s26, s17  }
0x45: {  	v25 =	vmul.f32 v21, v21;
	v24 =	vmul.f32 v19, v19  }
0x46: {  	s30 =	ssub.f32 $1.500000000e+00, s24  }
0x47: {  	v24 =	vadd.f32 v25, v24;
	v25 =	vmul.f32 v20, v20  }
0x48: {  	s26 =	smul.f32 s30, s17  }
0x49: {  	v27 =	vmul.f32 v23, v23;
	v26 =	vadd.f32 v25, v24;
	v25 =	vld [tilespmem:s25+$0xFFFFFF90]  }
0x4a: {  	v24 =	vld [tilespmem:s25+$0xFFFFFF80];
	s19 =	smul.f32 s26, s19  }
0x4b: {  	v27 =	vadd.f32 v27, v26  }
0x4c: {  	v26 =	vld [tilespmem:s25+$0xFFFFFFA0];
	s29 =	smul.f32 s19, s26  }
0x4d: {  	(xrf2) =	vadd.scan.msk.f32 $0xffff, v27  }
0x4e: {  	v27 =	vld [tilespmem:s25+$0xFFFFFFB0];
	s0 =	ssub.f32 $1.500000000e+00, s29  }
0x4f: {  	v32 =	vmul.f32 v25, v25;
	v33 =	vmul.f32 v24, v24  }
0x50: {  	p0 =	sgt.f32 s18, $0.0e+00;
	s0 =	smul.f32 s0, s26  }
0x51: {  	s23 =	smul.f32 s23, s20;
	v32 =	vadd.f32 v32, v33;
	v63 =	vmul.f32 v26, v26  }
0x52: {  	s0 =	simm.s32 @!p0 $0x0  }
0x53: {  	s31 =	smul.f32 s23, s22;
	s17 =	spop (v2sf);
	v34 =	vmul.f32 v27, v27;
	v32 =	vadd.f32 v63, v32;
	v31 =	vmul.f32 s0, v31  }
0x54: {  	s28 =	sshra.s32 s17, $0x1;
	s20 =	smul.f32 $5.000000000e-01, s17  }
0x55: {  	s24 =	smul.f32 s31, s23;
	s28 =	ssub.s32 $0x5F3759DF, s28;
	v32 =	vadd.f32 v34, v32  }
0x56: {  	s18 =	simm.s32 $0x2048;
	s31 =	spop (v2sf);
	s30 =	smul.f32 s28, s20  }
0x57: {  	s19 =	smul.f32 $5.000000000e-01, s31;
	[tilespmem:s18+$0x30] =	vst v31;
	v31, _, _ =	vpop (xrf2);
	(xrf2) =	vadd.scan.msk.f32 $0xffff, v32  }
0x58: {  	s1 =	sshra.s32 s31, $0x1;
	s30 =	smul.f32 s28, s30  }
0x59: {  	s29 =	ssub.f32 $1.500000000e+00, s24;
	s24 =	ssub.s32 $0x5F3759DF, s1  }
0x5a: {  	s8 =	smul.f32 s24, s19;
	s30 =	ssub.f32 $1.500000000e+00, s30  }
0x5b: {  	s23 =	smul.f32 s29, s23  }
0x5c: {  	s25 =	smul.f32 s28, s30  }
0x5d: {  	p6 =	sgt.f32 s21, $0.0e+00;
	s28 =	smul.f32 s24, s8;
	v30 =	vmul.f32 s0, v30  }
0x5e: {  	p1 =	sgt.f32 s31, $0.0e+00;
	v29 =	vmul.f32 s0, v29;
	s29 =	smul.f32 s25, s20  }
0x5f: {  	s21 =	simm.s32 $0x4;
	s26 =	smul.f32 s23, s22;
	v28 =	vmul.f32 s0, v28;
	s28 =	ssub.f32 $1.500000000e+00, s28;
	[tilespmem:s18+$0x0] =	vst v30;
	(v2sf) =	vpush v31, $0xF  }
0x60: {  	p0 =	por p6, p6;
	s22 =	simm.s32 $0x380;
	s29 =	smul.f32 s29, s25;
	[tilespmem:s18+$0x10] =	vst v29  }
.LBB2_2:
0x61: {  	v29 =	vld [tilespmem:s22+$0x0];
	v30, _, _ =	vpop (xrf2);
	s0 =	smul.f32 s24, s28;
	[tilespmem:s18+$0x20] =	vst v28  }
0x62: {  	s21 =	sadd.s32 $0x2, s21;
	s26 =	smul.f32 s26, s23;
	v31 =	vld [tilespmem:s22+$0x10];
	(v2sf) =	vpush v30, $0xF;
	s24 =	ssub.f32 $1.500000000e+00, s29  }
0x63: {  	p2 =	slt.u32 s21, $0x3E;
	v28 =	vld [tilespmem:s22+$0xFFFFFF90];
	s28 =	smul.f32 s0, s19  }
0x64: {  	v30 =	vld [tilespmem:s22+$0x20];
	s24 =	smul.f32 s24, s25;
	s25 =	ssub.f32 $1.500000000e+00, s26  }
0x65: {  	v32 =	vld [tilespmem:s22+$0xFFFFFF80];
	s26 =	smul.f32 s28, s0  }
0x66: {  	v33 =	vld [tilespmem:s22+$0x30];
	s28 =	smul.f32 s24, s20  }
0x67: {  	v35 =	vmul.f32 v29, v29;
	s25 =	smul.f32 s25, s23;
	v34 =	vld [tilespmem:s22+$0xFFFFFFA0];
	v36 =	vmul.f32 v31, v31;
	s26 =	ssub.f32 $1.500000000e+00, s26  }
0x68: {  	v37 =	vld [tilespmem:s22+$0xFFFFFFB0];
	v38 =	vmul.f32 v28, v28;
	s28 =	smul.f32 s28, s24  }
0x69: {  	s25 =	simm.s32 @!p0 $0x0;
	p0 =	por p1, p1;
	v35 =	vadd.f32 v36, v35;
	v36 =	vmul.f32 v30, v30;
	s23 =	smul.f32 s26, s0  }
0x6a: {  	v40 =	vmul.f32 s25, v13;
	v13 =	vmovc v11;
	v11 =	vmovc v24;
	v39 =	vmul.f32 v32, v32;
	s0 =	ssub.f32 $1.500000000e+00, s28;
	v24 =	vmov v32  }
0x6b: {  	v32 =	vadd.f32 v36, v35;
	v35 =	vmul.f32 v33, v33;
	s26 =	smul.f32 s23, s19;
	v36 =	vmul.f32 s25, v10;
	v10 =	vmovc v8;
	v8 =	vmovc v25  }
0x6c: {  	v25 =	vmovc v28;
	v38 =	vadd.f32 v38, v39;
	v39 =	vmul.f32 v34, v34;
	s0 =	smul.f32 s0, s24;
	[tilespmem:s18+$0xFFFFFFB8] =	vst v40;
	v40 =	vmul.f32 s25, v14  }
0x6d: {  	v14 =	vmovc v12;
	v28 =	vmul.f32 v37, v37;
	v32 =	vadd.f32 v35, v32;
	s24 =	smul.f32 s26, s23;
	[tilespmem:s18+$0xFFFFFFC8] =	vst v36;
	v35 =	vmul.f32 s25, v15  }
0x6e: {  	v12 =	vmovc v26;
	v26 =	vmovc v34;
	v15 =	vmov v9;
	v9 =	vmov v27;
	v36 =	vadd.f32 v39, v38;
	s25 =	spop (v2sf);
	s26 =	smul.f32 s0, s20;
	[tilespmem:s18+$0xFFFFFFD8] =	vst v40  }
0x6f: {  	v27 =	vmov v37;
	(xrf2) =	vadd.scan.msk.f32 $0xffff, v32;
	s28 =	sshra.s32 s25, $0x1;
	s20 =	smul.f32 $5.000000000e-01, s25;
	s29 =	ssub.f32 $1.500000000e+00, s24;
	[tilespmem:s18+$0xFFFFFFE8] =	vst v35  }
0x70: {  	v28 =	vadd.f32 v28, v36;
	s28 =	ssub.s32 $0x5F3759DF, s28;
	s24 =	smul.f32 s26, s0  }
0x71: {  	s26 =	smul.f32 s28, s20;
	s30 =	spop (v2sf)  }
0x72: {  	p3 =	sgt.f32 s17, $0.0e+00;
	s1 =	smul.f32 $5.000000000e-01, s30  }
0x73: {  	(xrf2) =	vadd.scan.msk.f32 $0xffff, v28;
	s31 =	sshra.s32 s30, $0x1;
	s8 =	ssub.f32 $1.500000000e+00, s24;
	s26 =	smul.f32 s28, s26  }
0x74: {  	s23 =	smul.f32 s29, s23;
	p1 =	sgt.f32 s30, $0.0e+00;
	s24 =	ssub.s32 $0x5F3759DF, s31  }
0x75: {  	s17 =	smov.u32 s25;
	s0 =	smul.f32 s8, s0;
	s25 =	ssub.f32 $1.500000000e+00, s26  }
0x76: {  	s8 =	smul.f32 s24, s1  }
0x77: {  	s0 =	simm.s32 @!p3 $0x0;
	s25 =	smul.f32 s28, s25  }
.Ltmp0:
0x78: {  	v32 =	vmul.f32 s0, v17;
	v35 =	vmul.f32 s0, v22;
	(pc) =	sbr.rel @p2 .LBB2_2-.Ltmp0, $4  }
0x79: {  	s18 =	sadd.s32 $0x90, s18;
	s8 =	smul.f32 s24, s8;
	v34 =	vmul.f32 s0, v16;
	v28 =	vmul.f32 s0, v18;
	v17 =	vmovc v19;
	v19 =	vmovc v29;
	v16 =	vmov v21  }
0x7a: {  	v21 =	vmov v31;
	v18 =	vmov v20;
	v20 =	vmov v30;
	v29, _, _ =	vpop (xrf2);
	s0 =	smul.f32 s25, s20;
	[tilespmem:s18+$0x30] =	vst v35  }
0x7b: {  	s26 =	smul.f32 s23, s19;
	s19 =	smov.u32 s1;
	v22 =	vmov v23;
	v23 =	vmov v33;
	s28 =	ssub.f32 $1.500000000e+00, s8;
	(v2sf) =	vpush v29, $0xF;
	[tilespmem:s18+$0x0] =	vst v32  }
0x7c: {  	s22 =	sadd.s32 $0x100, s22;
	s29 =	smul.f32 s0, s25;
	[tilespmem:s18+$0x10] =	vst v34  }
0x7d: {  	_ =	sdelay $0x1  }
0x7e: {  	v29, _, _ =	vpop (xrf2);
	s0 =	smul.f32 s24, s28  }
0x7f: {  	s8 =	smul.f32 s26, s23;
	(v2sf) =	vpush v29, $0xF;
	s1 =	ssub.f32 $1.500000000e+00, s29  }
0x80: {  	s21 =	smul.f32 s0, s19  }
0x81: {  	s1 =	smul.f32 s1, s25  }
0x82: {  	s21 =	smul.f32 s21, s0  }
0x83: {  	s22 =	smul.f32 s1, s20  }
0x84: {  	s21 =	ssub.f32 $1.500000000e+00, s21  }
0x85: {  	s8 =	ssub.f32 $1.500000000e+00, s8;
	s22 =	smul.f32 s22, s1  }
0x86: {  	s0 =	smul.f32 s21, s0  }
0x87: {  	s8 =	smul.f32 s8, s23;
	s24 =	ssub.f32 $1.500000000e+00, s22  }
0x88: {  	s25 =	smul.f32 s0, s19  }
0x89: {  	s1 =	smul.f32 s24, s1;
	s21 =	spop (v2sf)  }
0x8a: {  	s26 =	sshra.s32 s21, $0x1;
	s24 =	smul.f32 $5.000000000e-01, s21  }
0x8b: {  	s22 =	smul.f32 s25, s0;
	s23 =	ssub.s32 $0x5F3759DF, s26  }
0x8c: {  	s29 =	smul.f32 s23, s24  }
0x8d: {  	s30 =	smul.f32 s1, s20  }
0x8e: {  	s20 =	spop (v2sf);
	s25 =	smul.f32 s23, s29  }
0x8f: {  	s28 =	sshra.s32 s20, $0x1;
	s29 =	smul.f32 $5.000000000e-01, s20  }
0x90: {  	s26 =	smul.f32 s30, s1;
	s28 =	ssub.s32 $0x5F3759DF, s28;
	s25 =	ssub.f32 $1.500000000e+00, s25  }
0x91: {  	s30 =	smul.f32 s28, s29  }
0x92: {  	s23 =	smul.f32 s23, s25  }
0x93: {  	s25 =	ssub.f32 $1.500000000e+00, s26;
	s26 =	smul.f32 s28, s30  }
0x94: {  	s31 =	smul.f32 s23, s24  }
0x95: {  	s1 =	smul.f32 s25, s1;
	s26 =	ssub.f32 $1.500000000e+00, s26  }
0x96: {  	s22 =	ssub.f32 $1.500000000e+00, s22;
	s31 =	smul.f32 s31, s23  }
0x97: {  	s25 =	smul.f32 s28, s26  }
0x98: {  	s0 =	smul.f32 s22, s0;
	s30 =	ssub.f32 $1.500000000e+00, s31  }
0x99: {  	s31 =	smul.f32 s25, s29  }
0x9a: {  	s22 =	smul.f32 s30, s23  }
0x9b: {  	s26 =	smul.f32 s31, s25  }
0x9c: {  	s30 =	smul.f32 s22, s24  }
0x9d: {  	s31 =	smul.f32 s0, s19;
	s23 =	ssub.f32 $1.500000000e+00, s26  }
0x9e: {  	s26 =	smul.f32 s30, s22  }
0x9f: {  	s23 =	smul.f32 s23, s25  }
0xa0: {  	s19 =	smul.f32 s31, s0;
	s30 =	ssub.f32 $1.500000000e+00, s26  }
0xa1: {  	s8 =	simm.s32 @!p0 $0x0;
	s31 =	smul.f32 s23, s29  }
0xa2: {  	p0 =	sgt.f32 s17, $0.0e+00;
	v13 =	vmul.f32 s8, v13;
	s30 =	smul.f32 s30, s22  }
0xa3: {  	[tilespmem:s18+$0x20] =	vst v28;
	v10 =	vmul.f32 s8, v10;
	s19 =	ssub.f32 $1.500000000e+00, s19;
	s31 =	smul.f32 s31, s23  }
0xa4: {  	[tilespmem:s18+$0xFFFFFFB8] =	vst v13;
	v13 =	vmul.f32 s8, v14;
	s24 =	smul.f32 s30, s24  }
0xa5: {  	[tilespmem:s18+$0xFFFFFFC8] =	vst v10;
	v10 =	vmul.f32 s8, v15;
	s1 =	simm.s32 @!p0 $0x0;
	s0 =	smul.f32 s19, s0;
	s22 =	ssub.f32 $1.500000000e+00, s31  }
0xa6: {  	[tilespmem:s18+$0xFFFFFFD8] =	vst v13;
	v13 =	vmul.f32 s1, v22;
	s25 =	smul.f32 s24, s30  }
0xa7: {  	[tilespmem:s18+$0xFFFFFFE8] =	vst v10;
	v10 =	vmul.f32 s1, v17;
	s26 =	sadd.s32 $0x90, s18;
	s8 =	smul.f32 s22, s23  }
0xa8: {  	p0 =	por p1, p1;
	v14 =	vmul.f32 s1, v16;
	[tilespmem:s26+$0x30] =	vst v13;
	s19 =	ssub.f32 $1.500000000e+00, s25  }
0xa9: {  	v13 =	vmul.f32 s1, v18;
	[tilespmem:s26+$0x0] =	vst v10;
	s0 =	simm.s32 @!p0 $0x0;
	s29 =	smul.f32 s8, s29  }
0xaa: {  	[tilespmem:s26+$0x10] =	vst v14;
	v10 =	vmul.f32 s0, v11;
	s17 =	smul.f32 s19, s30  }
0xab: {  	p0 =	sgt.f32 s21, $0.0e+00;
	[tilespmem:s26+$0x20] =	vst v13;
	v8 =	vmul.f32 s0, v8;
	s1 =	smul.f32 s29, s8  }
0xac: {  	[tilespmem:s26+$0xFFFFFFB8] =	vst v10;
	v10 =	vmul.f32 s0, v12  }
0xad: {  	[tilespmem:s26+$0xFFFFFFC8] =	vst v8;
	v8 =	vmul.f32 s0, v9;
	s17 =	simm.s32 @!p0 $0x0;
	s30 =	ssub.f32 $1.500000000e+00, s1  }
0xae: {  	p6 =	sgt.f32 s20, $0.0e+00;
	[tilespmem:s26+$0xFFFFFFD8] =	vst v10;
	v9 =	vmul.f32 s17, v23  }
0xaf: {  	s31 =	sadd.s32 $0x90, s26;
	[tilespmem:s26+$0xFFFFFFE8] =	vst v8;
	v8 =	vmul.f32 s17, v19;
	s0 =	smul.f32 s30, s8  }
0xb0: {  	p0 =	por p6, p6;
	v10 =	vmul.f32 s17, v21;
	[tilespmem:s31+$0x30] =	vst v9  }
0xb1: {  	v9 =	vmul.f32 s17, v20;
	[tilespmem:s31+$0x0] =	vst v8;
	s0 =	simm.s32 @!p0 $0x0  }
0xb2: {  	[tilespmem:s31+$0x10] =	vst v10;
	v8 =	vmul.f32 s0, v24  }
0xb3: {  	[tilespmem:s31+$0x20] =	vst v9;
	v9 =	vmul.f32 s0, v25  }
0xb4: {  	[tilespmem:s31+$0xFFFFFFB8] =	vst v8;
	v8 =	vmul.f32 s0, v26  }
0xb5: {  	[tilespmem:s31+$0xFFFFFFC8] =	vst v9;
	v9 =	vmul.f32 s0, v27  }
0xb6: {  	[tilespmem:s31+$0xFFFFFFD8] =	vst v8  }
0xb7: {  	[tilespmem:s31+$0xFFFFFFE8] =	vst v9  }
0xb8: {  	_ =	swait.ge [sflag:s10], $0x1000  }
0xb9: {  	[sflag:s10] =	ssyncset.done $0x0  }
0xba: {  	s18 =	simm.s32 $0x3220;
	[sflag:s10] =	ssyncadd.s32 $0xFFFFF000  }
0xbb: {  	v8 =	vld [tilespmem:s18+$0x0];
	_ =	sdelay $0x2  }
0xbc: {  	v9 =	vld [tilespmem:s18+$0xFFFFFFE0];
	_ =	sdelay $0x1  }
0xbd: {  	v10 =	vmul.u32 $0x48, v8;
	_ =	sdelay $0x1  }
0xbe: {  	v8 =	vadd.s32 v0, v10  }
0xbf: {  	v12 =	vld [tilespmem:s18+$0xFFFFFFF0];
	v11 =	vmul.u32 $0x48, v9;
	_ =	sdelay $0x1  }
0xc0: {  	v9 =	vadd.s32 v0, v11  }
0xc1: {  	v13 =	vld [tilespmem:s18+$0x10]  }
0xc2: {  	v14 =	vld.idx.msk [tilespmem:v8+s11+$0x0], $0xffff  }
0xc3: {  	s19 =	simm.s32 $0x0;
	v8 =	vmul.u32 $0x48, v12;
	v12 =	vadd.s32 v1, v10  }
0xc4: {  	s20 =	simm.s32 $0x20;
	s0 =	sand.u32 $0x3C00, s19  }
0xc5: {  	s1 =	sand.u32 $0x60, s20;
	s0 =	sor.u32 $0x4200, s0;
	v16 =	vld.idx.msk [tilespmem:v9+s11+$0x0], $0xffff  }
0xc6: {  	s17 =	sor.u32 s1, s0;
	v9 =	vmul.u32 $0x48, v13;
	v15 =	vadd.s32 v0, v8  }
0xc7: {  	s21 =	simm.s32 $0x0;
	v13 =	vadd.s32 v1, v11;
	[tilespmem:s17+$0x0] =	vst v14  }
0xc8: {  	s1 =	sand.u32 $0x40, s21;
	v14 =	vadd.s32 v0, v9;
	v12 =	vld.idx.msk [tilespmem:v12+s11+$0x0], $0xffff  }
0xc9: {  	s22 =	simm.s32 $0x3260;
	s18 =	sor.u32 s1, s0;
	v17 =	vadd.s32 v2, v10  }
0xca: {  	[tilespmem:s18+$0x0] =	vst v16;
	v16 =	vld [tilespmem:s22+$0x0]  }
0xcb: {  	v15 =	vld.idx.msk [tilespmem:v15+s11+$0x0], $0xffff  }
0xcc: {  	v18 =	vadd.s32 v1, v8;
	v13 =	vld.idx.msk [tilespmem:v13+s11+$0x0], $0xffff  }
0xcd: {  	s24 =	simm.s32 $0x10;
	v19 =	vadd.s32 v2, v11;
	v14 =	vld.idx.msk [tilespmem:v14+s11+$0x0], $0xffff;
	[tilespmem:s17+$0x80] =	vst v12  }
0xce: {  	s8 =	sand.u32 $0x50, s24;
	v20 =	vadd.s32 v1, v9;
	v17 =	vld.idx.msk [tilespmem:v17+s11+$0x0], $0xffff  }
0xcf: {  	s25 =	simm.s32 $0x30;
	s19 =	sor.u32 s8, s0;
	v22 =	vadd.s32 v3, v10  }
0xd0: {  	s8 =	sand.u32 $0x70, s25;
	v21 =	vld [tilespmem:s22+$0xFFFFFFE0];
	[tilespmem:s19+$0x0] =	vst v15  }
0xd1: {  	s20 =	sor.u32 s8, s0;
	[tilespmem:s18+$0x80] =	vst v13;
	v15 =	vld.idx.msk [tilespmem:v18+s11+$0x0], $0xffff  }
0xd2: {  	v12 =	vmul.u32 $0x48, v16;
	v16 =	vadd.s32 v2, v8;
	v18 =	vld.idx.msk [tilespmem:v19+s11+$0x0], $0xffff;
	[tilespmem:s20+$0x0] =	vst v14  }
0xd3: {  	v19 =	vadd.s32 v3, v11;
	[tilespmem:s17+$0x100] =	vst v17;
	v17 =	vld.idx.msk [tilespmem:v20+s11+$0x0], $0xffff  }
0xd4: {  	v14 =	vadd.s32 v0, v12;
	v20 =	vld.idx.msk [tilespmem:v22+s11+$0x0], $0xffff  }
0xd5: {  	v13 =	vmul.u32 $0x48, v21;
	v21 =	vld [tilespmem:s22+$0xFFFFFFF0];
	v22 =	vadd.s32 v2, v9  }
0xd6: {  	v25 =	vld [tilespmem:s22+$0x10];
	[tilespmem:s19+$0x80] =	vst v15;
	v15 =	vadd.s32 v4, v10  }
0xd7: {  	v23 =	vadd.s32 v0, v13;
	[tilespmem:s18+$0x100] =	vst v18;
	v16 =	vld.idx.msk [tilespmem:v16+s11+$0x0], $0xffff  }
0xd8: {  	v18 =	vadd.s32 v3, v8;
	v19 =	vld.idx.msk [tilespmem:v19+s11+$0x0], $0xffff;
	[tilespmem:s20+$0x80] =	vst v17  }
0xd9: {  	v24 =	vld.idx.msk [tilespmem:v14+s11+$0x0], $0xffff;
	[tilespmem:s17+$0x180] =	vst v20;
	v20 =	vadd.s32 v4, v11  }
0xda: {  	s23 =	simm.s32 $0x200;
	v14 =	vmul.u32 $0x48, v21;
	v17 =	vld.idx.msk [tilespmem:v22+s11+$0x0], $0xffff;
	v22 =	vadd.s32 v1, v12  }
0xdb: {  	s26 =	sand.u32 $0x3C00, s23;
	s29 =	simm.s32 $0x60;
	v21 =	vadd.s32 v3, v9;
	v15 =	vld.idx.msk [tilespmem:v15+s11+$0x0], $0xffff  }
0xdc: {  	s28 =	sor.u32 $0x4200, s26;
	s30 =	sand.u32 $0x60, s29;
	[tilespmem:s19+$0x100] =	vst v16;
	v16 =	vld.idx.msk [tilespmem:v23+s11+$0x0], $0xffff;
	v23 =	vadd.s32 v0, v14  }
0xdd: {  	s21 =	sor.u32 s30, s28;
	v26 =	vadd.s32 v5, v10;
	[tilespmem:s18+$0x180] =	vst v19;
	v18 =	vld.idx.msk [tilespmem:v18+s11+$0x0], $0xffff  }
0xde: {  	s31 =	simm.s32 $0x40;
	v27 =	vadd.s32 v4, v8;
	[tilespmem:s21+$0x0] =	vst v24;
	v20 =	vld.idx.msk [tilespmem:v20+s11+$0x0], $0xffff  }
0xdf: {  	s0 =	sand.u32 $0x40, s31;
	[tilespmem:s20+$0x100] =	vst v17;
	v17 =	vadd.s32 v1, v13;
	v28 =	vld.idx.msk [tilespmem:v22+s11+$0x0], $0xffff  }
0xe0: {  	s22 =	sor.u32 s0, s28;
	v22 =	vadd.s32 v5, v11;
	v24 =	vld.idx.msk [tilespmem:v21+s11+$0x0], $0xffff;
	[tilespmem:s17+$0x200] =	vst v15  }
0xe1: {  	v29 =	vadd.s32 v2, v12;
	v19 =	vld.idx.msk [tilespmem:v23+s11+$0x0], $0xffff;
	[tilespmem:s22+$0x0] =	vst v16  }
0xe2: {  	v23 =	vadd.s32 v4, v9;
	[tilespmem:s19+$0x180] =	vst v18;
	v21 =	vld.idx.msk [tilespmem:v26+s11+$0x0], $0xffff  }
0xe3: {  	v26 =	vld.idx.msk [tilespmem:v27+s11+$0x0], $0xffff;
	[tilespmem:s18+$0x200] =	vst v20  }
0xe4: {  	v18 =	vld.idx.msk [tilespmem:v17+s11+$0x0], $0xffff;
	[tilespmem:s21+$0x80] =	vst v28  }
0xe5: {  	v16 =	vmul.u32 $0x48, v25;
	v22 =	vld.idx.msk [tilespmem:v22+s11+$0x0], $0xffff;
	[tilespmem:s20+$0x180] =	vst v24;
	v24 =	vadd.s32 v5, v8  }
0xe6: {  	v20 =	vadd.s32 v6, v10;
	v25 =	vld.idx.msk [tilespmem:v29+s11+$0x0], $0xffff  }
0xe7: {  	s26 =	simm.s32 $0x32A0;
	s24 =	simm.s32 $0x70;
	s25 =	simm.s32 $0x4;
	v15 =	vadd.s32 v5, v9;
	v27 =	vadd.s32 v0, v16;
	v17 =	vadd.s32 v5, v16;
	v23 =	vld.idx.msk [tilespmem:v23+s11+$0x0], $0xffff  }
.LBB2_4:
0xe8: {  	v28 =	vld [tilespmem:s26+$0x0];
	s25 =	sadd.s32 $0x4, s25  }
0xe9: {  	v30 =	vadd.s32 v3, v12;
	v29 =	vld [tilespmem:s26+$0xFFFFFFE0];
	p0 =	slt.u32 s25, $0x7C;
	[tilespmem:s19+$0x200] =	vst v26  }
0xea: {  	v26 =	vadd.s32 v1, v14;
	v24 =	vld.idx.msk [tilespmem:v24+s11+$0x0], $0xffff;
	[tilespmem:s17+$0x280] =	vst v21  }
0xeb: {  	s0 =	sadd.s32 $0xFFFFFFE0, s24;
	[tilespmem:s18+$0x280] =	vst v22;
	v20 =	vld.idx.msk [tilespmem:v20+s11+$0x0], $0xffff  }
0xec: {  	s0 =	sand.u32 $0x50, s0;
	v22 =	vadd.s32 v6, v8;
	v21 =	vld.idx.msk [tilespmem:v27+s11+$0x0], $0xffff;
	[tilespmem:s20+$0x200] =	vst v23  }
0xed: {  	s29 =	sor.u32 s0, s28;
	v23 =	vadd.s32 v6, v11;
	[tilespmem:s21+$0x100] =	vst v25;
	v25 =	vld.idx.msk [tilespmem:v15+s11+$0x0], $0xffff;
	v15 =	vmov v17  }
0xee: {  	v27 =	vadd.s32 v1, v16;
	v17 =	vadd.s32 v2, v13;
	[tilespmem:s29+$0x0] =	vst v19;
	v19 =	vld.idx.msk [tilespmem:v30+s11+$0x0], $0xffff  }
0xef: {  	v30 =	vadd.s32 v6, v9;
	v26 =	vld.idx.msk [tilespmem:v26+s11+$0x0], $0xffff  }
0xf0: {  	s0 =	sand.u32 $0x70, s24;
	v31 =	vld [tilespmem:s26+$0xFFFFFFF0];
	[tilespmem:s19+$0x280] =	vst v24  }
0xf1: {  	s30 =	sor.u32 s0, s28;
	[tilespmem:s22+$0x80] =	vst v18;
	v18 =	vld.idx.msk [tilespmem:v22+s11+$0x0], $0xffff;
	v22 =	vadd.s32 v7, v10;
	v10 =	vmov v12;
	v12 =	vmul.u32 $0x48, v28  }
0xf2: {  	v24 =	vadd.s32 v2, v14;
	[tilespmem:s30+$0x0] =	vst v21;
	v21 =	vld.idx.msk [tilespmem:v23+s11+$0x0], $0xffff  }
0xf3: {  	v23 =	vadd.s32 v0, v12;
	v17 =	vld.idx.msk [tilespmem:v17+s11+$0x0], $0xffff;
	[tilespmem:s20+$0x280] =	vst v25  }
0xf4: {  	v25 =	vadd.s32 v7, v11;
	v11 =	vmov v13;
	[tilespmem:s17+$0x300] =	vst v20;
	v20 =	vld.idx.msk [tilespmem:v30+s11+$0x0], $0xffff  }
0xf5: {  	[tilespmem:s29+$0x80] =	vst v26;
	v26 =	vld.idx.msk [tilespmem:v27+s11+$0x0], $0xffff;
	v27 =	vadd.s32 v7, v8;
	v8 =	vmov v14  }
0xf6: {  	v14 =	vadd.s32 v3, v11;
	[tilespmem:s21+$0x180] =	vst v19;
	v19 =	vld.idx.msk [tilespmem:v22+s11+$0x0], $0xffff  }
0xf7: {  	s23 =	sadd.s32 $0x200, s23;
	s24 =	sadd.s32 $0x40, s24;
	v22 =	vld.idx.msk [tilespmem:v24+s11+$0x0], $0xffff;
	v24 =	vadd.s32 v2, v16;
	[tilespmem:s19+$0x300] =	vst v18;
	v18 =	vadd.s32 v7, v9;
	v9 =	vmov v16  }
0xf8: {  	v13 =	vmul.u32 $0x48, v29;
	v16 =	vld.idx.msk [tilespmem:v23+s11+$0x0], $0xffff;
	[tilespmem:s18+$0x300] =	vst v21  }
0xf9: {  	[tilespmem:s22+$0x100] =	vst v17;
	v17 =	vadd.s32 v4, v10;
	v21 =	vld.idx.msk [tilespmem:v25+s11+$0x0], $0xffff  }
0xfa: {  	v23 =	vadd.s32 v0, v13;
	v25 =	vld.idx.msk [tilespmem:v27+s11+$0x0], $0xffff;
	[tilespmem:s20+$0x300] =	vst v20  }
0xfb: {  	s0 =	sand.u32 $0x3C00, s23;
	s1 =	sadd.s32 $0xFFFFFFF0, s24;
	v27 =	vadd.s32 v3, v8;
	v20 =	vld.idx.msk [tilespmem:v14+s11+$0x0], $0xffff;
	[tilespmem:s30+$0x80] =	vst v26  }
0xfc: {  	s28 =	sor.u32 $0x4200, s0;
	s0 =	sand.u32 $0x60, s1;
	v24 =	vld.idx.msk [tilespmem:v24+s11+$0x0], $0xffff;
	[tilespmem:s17+$0x380] =	vst v19;
	s17 =	smov.u32 s21  }
0xfd: {  	s21 =	sor.u32 s0, s28;
	v19 =	vadd.s32 v4, v11;
	[tilespmem:s29+$0x100] =	vst v22;
	v18 =	vld.idx.msk [tilespmem:v18+s11+$0x0], $0xffff  }
0xfe: {  	v14 =	vmul.u32 $0x48, v31;
	[tilespmem:s21+$0x0] =	vst v16;
	v16 =	vld.idx.msk [tilespmem:v17+s11+$0x0], $0xffff;
	v17 =	vadd.s32 v3, v9  }
0xff: {  	v22 =	vld.idx.msk [tilespmem:v23+s11+$0x0], $0xffff;
	v23 =	vadd.s32 v1, v12;
	[tilespmem:s18+$0x380] =	vst v21;
	s18 =	smov.u32 s22  }
0x100: {  	v21 =	vadd.s32 v0, v14;
	v26 =	vld.idx.msk [tilespmem:v27+s11+$0x0], $0xffff;
	[tilespmem:s19+$0x380] =	vst v25;
	s19 =	smov.u32 s29  }
0x101: {  	v25 =	vld [tilespmem:s26+$0x10];
	[tilespmem:s18+$0x180] =	vst v20;
	v20 =	vadd.s32 v5, v10  }
0x102: {  	v28 =	vadd.s32 v4, v8;
	v27 =	vld.idx.msk [tilespmem:v19+s11+$0x0], $0xffff;
	[tilespmem:s30+$0x100] =	vst v24  }
0x103: {  	v24 =	vadd.s32 v1, v13;
	v17 =	vld.idx.msk [tilespmem:v17+s11+$0x0], $0xffff;
	[tilespmem:s20+$0x380] =	vst v18;
	s20 =	smov.u32 s30  }
0x104: {  	v29 =	vadd.s32 v5, v11;
	s0 =	sadd.s32 $0xFFFFFFD0, s24;
	v23 =	vld.idx.msk [tilespmem:v23+s11+$0x0], $0xffff;
	[tilespmem:s17+$0x200] =	vst v16  }
0x105: {  	v30 =	vadd.s32 v4, v9;
	s0 =	sand.u32 $0x40, s0;
	v19 =	vld.idx.msk [tilespmem:v21+s11+$0x0], $0xffff  }
0x106: {  	v31 =	vadd.s32 v2, v12;
	s22 =	sor.u32 s0, s28;
	[tilespmem:s19+$0x180] =	vst v26;
	v21 =	vld.idx.msk [tilespmem:v20+s11+$0x0], $0xffff  }
.Ltmp1:
0x107: {  	[tilespmem:s22+$0x0] =	vst v22;
	v26 =	vld.idx.msk [tilespmem:v28+s11+$0x0], $0xffff;
	(pc) =	sbr.rel @p0 .LBB2_4-.Ltmp1, $4  }
0x108: {  	v16 =	vmul.u32 $0x48, v25;
	v18 =	vld.idx.msk [tilespmem:v24+s11+$0x0], $0xffff;
	[tilespmem:s18+$0x200] =	vst v27  }
0x109: {  	v20 =	vadd.s32 v6, v10;
	v24 =	vadd.s32 v5, v8;
	v22 =	vld.idx.msk [tilespmem:v29+s11+$0x0], $0xffff;
	[tilespmem:s20+$0x180] =	vst v17  }
0x10a: {  	v27 =	vadd.s32 v0, v16;
	v17 =	vadd.s32 v5, v16;
	[tilespmem:s21+$0x80] =	vst v23;
	v23 =	vld.idx.msk [tilespmem:v30+s11+$0x0], $0xffff  }
0x10b: {  	s26 =	sadd.s32 $0x40, s26;
	v25 =	vld.idx.msk [tilespmem:v31+s11+$0x0], $0xffff  }
0x10c: {  	_ =	sdelay $0x3  }
0x10d: {  	v28 =	vadd.s32 v1, v14;
	v27 =	vld.idx.msk [tilespmem:v27+s11+$0x0], $0xffff  }
0x10e: {  	s0 =	sadd.s32 $0xFFFFFFE0, s24;
	v29 =	vadd.s32 v1, v16  }
0x10f: {  	s0 =	sand.u32 $0x50, s0  }
0x110: {  	s8 =	sand.u32 $0x70, s24;
	s23 =	sor.u32 s0, s28  }
0x111: {  	s24 =	sor.u32 s8, s28;
	[tilespmem:s23+$0x0] =	vst v19  }
0x112: {  	v19 =	vadd.s32 v2, v13;
	v28 =	vld.idx.msk [tilespmem:v28+s11+$0x0], $0xffff;
	[tilespmem:s24+$0x0] =	vst v27  }
0x113: {  	[tilespmem:s19+$0x200] =	vst v26;
	v27 =	vadd.s32 v2, v14;
	v29 =	vld.idx.msk [tilespmem:v29+s11+$0x0], $0xffff  }
0x114: {  	v26 =	vadd.s32 v2, v16;
	[tilespmem:s17+$0x280] =	vst v21  }
0x115: {  	[tilespmem:s22+$0x80] =	vst v18  }
0x116: {  	v24 =	vld.idx.msk [tilespmem:v24+s11+$0x0], $0xffff;
	[tilespmem:s18+$0x280] =	vst v22  }
0x117: {  	v18 =	vadd.s32 v3, v12;
	v19 =	vld.idx.msk [tilespmem:v19+s11+$0x0], $0xffff;
	[tilespmem:s23+$0x80] =	vst v28  }
0x118: {  	v21 =	vadd.s32 v3, v13;
	v27 =	vld.idx.msk [tilespmem:v27+s11+$0x0], $0xffff;
	[tilespmem:s24+$0x80] =	vst v29  }
0x119: {  	v22 =	vadd.s32 v3, v14;
	[tilespmem:s20+$0x200] =	vst v23;
	v26 =	vld.idx.msk [tilespmem:v26+s11+$0x0], $0xffff  }
0x11a: {  	v20 =	vld.idx.msk [tilespmem:v20+s11+$0x0], $0xffff;
	v23 =	vadd.s32 v3, v16;
	[tilespmem:s21+$0x100] =	vst v25  }
0x11b: {  	v15 =	vld.idx.msk [tilespmem:v15+s11+$0x0], $0xffff;
	[tilespmem:s19+$0x280] =	vst v24  }
0x11c: {  	v10 =	vadd.s32 v7, v10;
	v18 =	vld.idx.msk [tilespmem:v18+s11+$0x0], $0xffff;
	[tilespmem:s22+$0x100] =	vst v19  }
0x11d: {  	v19 =	vadd.s32 v4, v12;
	v21 =	vld.idx.msk [tilespmem:v21+s11+$0x0], $0xffff;
	[tilespmem:s23+$0x100] =	vst v27  }
0x11e: {  	v27 =	vadd.s32 v4, v13;
	v22 =	vld.idx.msk [tilespmem:v22+s11+$0x0], $0xffff;
	[tilespmem:s24+$0x100] =	vst v26  }
0x11f: {  	v24 =	vadd.s32 v4, v14;
	[tilespmem:s17+$0x300] =	vst v20;
	v23 =	vld.idx.msk [tilespmem:v23+s11+$0x0], $0xffff  }
0x120: {  	[tilespmem:s20+$0x280] =	vst v15;
	v15 =	vadd.s32 v4, v16  }
0x121: {  	v10 =	vld.idx.msk [tilespmem:v10+s11+$0x0], $0xffff;
	[tilespmem:s21+$0x180] =	vst v18;
	v26 =	vadd.s32 v6, v11  }
0x122: {  	v18 =	vadd.s32 v6, v9;
	v19 =	vld.idx.msk [tilespmem:v19+s11+$0x0], $0xffff;
	[tilespmem:s22+$0x180] =	vst v21  }
0x123: {  	v21 =	vadd.s32 v5, v12;
	v27 =	vld.idx.msk [tilespmem:v27+s11+$0x0], $0xffff;
	[tilespmem:s23+$0x180] =	vst v22  }
0x124: {  	v22 =	vadd.s32 v5, v13;
	v24 =	vld.idx.msk [tilespmem:v24+s11+$0x0], $0xffff;
	[tilespmem:s24+$0x180] =	vst v23  }
0x125: {  	v20 =	vadd.s32 v5, v14;
	v15 =	vld.idx.msk [tilespmem:v15+s11+$0x0], $0xffff  }
0x126: {  	[tilespmem:s17+$0x380] =	vst v10;
	v23 =	vld.idx.msk [tilespmem:v26+s11+$0x0], $0xffff  }
0x127: {  	v25 =	vadd.s32 v6, v8;
	v18 =	vld.idx.msk [tilespmem:v18+s11+$0x0], $0xffff;
	[tilespmem:s21+$0x200] =	vst v19  }
0x128: {  	v11 =	vadd.s32 v7, v11;
	v19 =	vld.idx.msk [tilespmem:v21+s11+$0x0], $0xffff;
	[tilespmem:s22+$0x200] =	vst v27  }
0x129: {  	v21 =	vld.idx.msk [tilespmem:v22+s11+$0x0], $0xffff;
	v22 =	vadd.s32 v6, v12;
	[tilespmem:s23+$0x200] =	vst v24  }
0x12a: {  	v20 =	vld.idx.msk [tilespmem:v20+s11+$0x0], $0xffff;
	[tilespmem:s24+$0x200] =	vst v15;
	v15 =	vadd.s32 v6, v13  }
0x12b: {  	[tilespmem:s18+$0x300] =	vst v23;
	v23 =	vadd.s32 v6, v14;
	v17 =	vld.idx.msk [tilespmem:v17+s11+$0x0], $0xffff  }
0x12c: {  	v25 =	vld.idx.msk [tilespmem:v25+s11+$0x0], $0xffff;
	[tilespmem:s20+$0x300] =	vst v18;
	v18 =	vadd.s32 v6, v16  }
0x12d: {  	v8 =	vadd.s32 v7, v8;
	v11 =	vld.idx.msk [tilespmem:v11+s11+$0x0], $0xffff;
	[tilespmem:s21+$0x280] =	vst v19  }
0x12e: {  	v9 =	vadd.s32 v7, v9;
	[tilespmem:s22+$0x280] =	vst v21;
	v19 =	vld.idx.msk [tilespmem:v22+s11+$0x0], $0xffff  }
0x12f: {  	v12 =	vadd.s32 v7, v12;
	[tilespmem:s23+$0x280] =	vst v20;
	v15 =	vld.idx.msk [tilespmem:v15+s11+$0x0], $0xffff  }
0x130: {  	v13 =	vadd.s32 v7, v13;
	v20 =	vld.idx.msk [tilespmem:v23+s11+$0x0], $0xffff;
	[tilespmem:s24+$0x280] =	vst v17  }
0x131: {  	[tilespmem:s19+$0x300] =	vst v25;
	v14 =	vadd.s32 v7, v14;
	v10 =	vld.idx.msk [tilespmem:v18+s11+$0x0], $0xffff  }
0x132: {  	v8 =	vld.idx.msk [tilespmem:v8+s11+$0x0], $0xffff;
	[tilespmem:s18+$0x380] =	vst v11;
	v11 =	vadd.s32 v7, v16  }
0x133: {  	v9 =	vld.idx.msk [tilespmem:v9+s11+$0x0], $0xffff;
	[tilespmem:s21+$0x300] =	vst v19  }
0x134: {  	v12 =	vld.idx.msk [tilespmem:v12+s11+$0x0], $0xffff;
	[tilespmem:s22+$0x300] =	vst v15  }
0x135: {  	[tilespmem:s23+$0x300] =	vst v20;
	v13 =	vld.idx.msk [tilespmem:v13+s11+$0x0], $0xffff  }
0x136: {  	v14 =	vld.idx.msk [tilespmem:v14+s11+$0x0], $0xffff;
	[tilespmem:s24+$0x300] =	vst v10  }
0x137: {  	[tilespmem:s19+$0x380] =	vst v8;
	v8 =	vld.idx.msk [tilespmem:v11+s11+$0x0], $0xffff  }
0x138: {  	[tilespmem:s20+$0x380] =	vst v9  }
0x139: {  	[tilespmem:s21+$0x380] =	vst v12  }
0x13a: {  	[tilespmem:s22+$0x380] =	vst v13  }
0x13b: {  	[tilespmem:s23+$0x380] =	vst v14  }
0x13c: {  	s21 =	simm.s32 $0x3A30;
	[tilespmem:s24+$0x380] =	vst v8  }
0x13d: {  	[hbm4b:s4+s2] =	stream.linear.scatter [tilespmem:s12], [sflag:$0x3], $0x4000, $0x38;
	[tilespmem:$0xC200] =	vst v63  }
0x13e: {  	v8 =	vld [tilespmem:s21+$0xFFFFFFF0];
	_ =	sdelay $0x2  }
0x13f: {  	v9 =	vld [tilespmem:s21+$0xFFFFFFD0];
	_ =	sdelay $0x1  }
0x140: {  	v10 =	vmul.u32 $0x48, v8;
	_ =	sdelay $0x1  }
0x141: {  	v8 =	vadd.s32 v0, v10  }
0x142: {  	v12 =	vld [tilespmem:s21+$0xFFFFFFE0];
	v11 =	vmul.u32 $0x48, v9;
	_ =	sdelay $0x1  }
0x143: {  	v9 =	vadd.s32 v0, v11  }
0x144: {  	v13 =	vld [tilespmem:s21+$0x0]  }
0x145: {  	v14 =	vld.idx.msk [tilespmem:v8+s11+$0x0], $0xffff  }
0x146: {  	s22 =	simm.s32 $0x4000;
	v8 =	vmul.u32 $0x48, v12;
	v12 =	vadd.s32 v1, v10  }
0x147: {  	s1 =	simm.s32 $0x820;
	s0 =	sand.u32 $0x7C00, s22  }
0x148: {  	s1 =	sand.u32 $0x60, s1;
	s0 =	sadd.s32 $0x4200, s0;
	v16 =	vld.idx.msk [tilespmem:v9+s11+$0x0], $0xffff  }
0x149: {  	s17 =	sor.u32 s1, s0;
	v9 =	vmul.u32 $0x48, v13;
	v15 =	vadd.s32 v0, v8  }
0x14a: {  	s23 =	simm.s32 $0x800;
	v13 =	vadd.s32 v1, v11;
	[tilespmem:s17+$0x0] =	vst v14  }
0x14b: {  	s1 =	sand.u32 $0x40, s23;
	v14 =	vadd.s32 v0, v9;
	v12 =	vld.idx.msk [tilespmem:v12+s11+$0x0], $0xffff  }
0x14c: {  	s24 =	simm.s32 $0x3A70;
	s18 =	sor.u32 s1, s0;
	v17 =	vadd.s32 v2, v10  }
0x14d: {  	[tilespmem:s18+$0x0] =	vst v16;
	v16 =	vld [tilespmem:s24+$0xFFFFFFF0]  }
0x14e: {  	v15 =	vld.idx.msk [tilespmem:v15+s11+$0x0], $0xffff  }
0x14f: {  	v18 =	vadd.s32 v1, v8;
	v13 =	vld.idx.msk [tilespmem:v13+s11+$0x0], $0xffff  }
0x150: {  	s8 =	simm.s32 $0x810;
	v19 =	vadd.s32 v2, v11;
	v14 =	vld.idx.msk [tilespmem:v14+s11+$0x0], $0xffff;
	[tilespmem:s17+$0x80] =	vst v12  }
0x151: {  	s8 =	sand.u32 $0x50, s8;
	v20 =	vadd.s32 v1, v9;
	v17 =	vld.idx.msk [tilespmem:v17+s11+$0x0], $0xffff  }
0x152: {  	s25 =	simm.s32 $0x830;
	s19 =	sor.u32 s8, s0;
	v22 =	vadd.s32 v3, v10  }
0x153: {  	s8 =	sand.u32 $0x70, s25;
	v21 =	vld [tilespmem:s24+$0xFFFFFFD0];
	[tilespmem:s19+$0x0] =	vst v15  }
0x154: {  	s20 =	sor.u32 s8, s0;
	[tilespmem:s18+$0x80] =	vst v13;
	v15 =	vld.idx.msk [tilespmem:v18+s11+$0x0], $0xffff  }
0x155: {  	v12 =	vmul.u32 $0x48, v16;
	v16 =	vadd.s32 v2, v8;
	v18 =	vld.idx.msk [tilespmem:v19+s11+$0x0], $0xffff;
	[tilespmem:s20+$0x0] =	vst v14  }
0x156: {  	v19 =	vadd.s32 v3, v11;
	[tilespmem:s17+$0x100] =	vst v17;
	v17 =	vld.idx.msk [tilespmem:v20+s11+$0x0], $0xffff  }
0x157: {  	v14 =	vadd.s32 v0, v12;
	v20 =	vld.idx.msk [tilespmem:v22+s11+$0x0], $0xffff  }
0x158: {  	v13 =	vmul.u32 $0x48, v21;
	v21 =	vld [tilespmem:s24+$0xFFFFFFE0];
	v22 =	vadd.s32 v2, v9  }
0x159: {  	v25 =	vld [tilespmem:s24+$0x0];
	[tilespmem:s19+$0x80] =	vst v15;
	v15 =	vadd.s32 v4, v10  }
0x15a: {  	v23 =	vadd.s32 v0, v13;
	[tilespmem:s18+$0x100] =	vst v18;
	v16 =	vld.idx.msk [tilespmem:v16+s11+$0x0], $0xffff  }
0x15b: {  	v18 =	vadd.s32 v3, v8;
	v19 =	vld.idx.msk [tilespmem:v19+s11+$0x0], $0xffff;
	[tilespmem:s20+$0x80] =	vst v17  }
0x15c: {  	v24 =	vld.idx.msk [tilespmem:v14+s11+$0x0], $0xffff;
	[tilespmem:s17+$0x180] =	vst v20;
	v20 =	vadd.s32 v4, v11  }
0x15d: {  	s23 =	simm.s32 $0x4200;
	v14 =	vmul.u32 $0x48, v21;
	v17 =	vld.idx.msk [tilespmem:v22+s11+$0x0], $0xffff;
	v22 =	vadd.s32 v1, v12  }
0x15e: {  	s29 =	simm.s32 $0x860;
	s26 =	sand.u32 $0x7C00, s23;
	v21 =	vadd.s32 v3, v9;
	v15 =	vld.idx.msk [tilespmem:v15+s11+$0x0], $0xffff  }
0x15f: {  	s30 =	sand.u32 $0x60, s29;
	s28 =	sadd.s32 $0x4200, s26;
	[tilespmem:s19+$0x100] =	vst v16;
	v16 =	vld.idx.msk [tilespmem:v23+s11+$0x0], $0xffff;
	v23 =	vadd.s32 v0, v14  }
0x160: {  	s21 =	sor.u32 s30, s28;
	v26 =	vadd.s32 v5, v10;
	[tilespmem:s18+$0x180] =	vst v19;
	v18 =	vld.idx.msk [tilespmem:v18+s11+$0x0], $0xffff  }
0x161: {  	s31 =	simm.s32 $0x840;
	v27 =	vadd.s32 v4, v8;
	[tilespmem:s21+$0x0] =	vst v24;
	v20 =	vld.idx.msk [tilespmem:v20+s11+$0x0], $0xffff  }
0x162: {  	s0 =	sand.u32 $0x40, s31;
	[tilespmem:s20+$0x100] =	vst v17;
	v17 =	vadd.s32 v1, v13;
	v28 =	vld.idx.msk [tilespmem:v22+s11+$0x0], $0xffff  }
0x163: {  	s22 =	sor.u32 s0, s28;
	v22 =	vadd.s32 v5, v11;
	v24 =	vld.idx.msk [tilespmem:v21+s11+$0x0], $0xffff;
	[tilespmem:s17+$0x200] =	vst v15  }
0x164: {  	v29 =	vadd.s32 v2, v12;
	v19 =	vld.idx.msk [tilespmem:v23+s11+$0x0], $0xffff;
	[tilespmem:s22+$0x0] =	vst v16  }
0x165: {  	v23 =	vadd.s32 v4, v9;
	[tilespmem:s19+$0x180] =	vst v18;
	v21 =	vld.idx.msk [tilespmem:v26+s11+$0x0], $0xffff  }
0x166: {  	v26 =	vld.idx.msk [tilespmem:v27+s11+$0x0], $0xffff;
	[tilespmem:s18+$0x200] =	vst v20  }
0x167: {  	v18 =	vld.idx.msk [tilespmem:v17+s11+$0x0], $0xffff;
	[tilespmem:s21+$0x80] =	vst v28  }
0x168: {  	v16 =	vmul.u32 $0x48, v25;
	v22 =	vld.idx.msk [tilespmem:v22+s11+$0x0], $0xffff;
	[tilespmem:s20+$0x180] =	vst v24;
	v24 =	vadd.s32 v5, v8  }
0x169: {  	v20 =	vadd.s32 v6, v10;
	v25 =	vld.idx.msk [tilespmem:v29+s11+$0x0], $0xffff  }
0x16a: {  	s25 =	simm.s32 $0x84;
	s26 =	simm.s32 $0x3AB0;
	s24 =	simm.s32 $0x870;
	v15 =	vadd.s32 v5, v9;
	v27 =	vadd.s32 v0, v16;
	v17 =	vadd.s32 v5, v16;
	v23 =	vld.idx.msk [tilespmem:v23+s11+$0x0], $0xffff  }
.LBB2_6:
0x16b: {  	v28 =	vld [tilespmem:s26+$0xFFFFFFF0];
	s25 =	sadd.s32 $0x4, s25  }
0x16c: {  	v30 =	vadd.s32 v3, v12;
	v29 =	vld [tilespmem:s26+$0xFFFFFFD0];
	p0 =	slt.u32 s25, $0xFC;
	[tilespmem:s19+$0x200] =	vst v26  }
0x16d: {  	v26 =	vadd.s32 v1, v14;
	v24 =	vld.idx.msk [tilespmem:v24+s11+$0x0], $0xffff;
	[tilespmem:s17+$0x280] =	vst v21  }
0x16e: {  	s0 =	sadd.s32 $0xFFFFFFE0, s24;
	[tilespmem:s18+$0x280] =	vst v22;
	v20 =	vld.idx.msk [tilespmem:v20+s11+$0x0], $0xffff  }
0x16f: {  	s0 =	sand.u32 $0x50, s0;
	v22 =	vadd.s32 v6, v8;
	v21 =	vld.idx.msk [tilespmem:v27+s11+$0x0], $0xffff;
	[tilespmem:s20+$0x200] =	vst v23  }
0x170: {  	s29 =	sor.u32 s0, s28;
	v23 =	vadd.s32 v6, v11;
	[tilespmem:s21+$0x100] =	vst v25;
	v25 =	vld.idx.msk [tilespmem:v15+s11+$0x0], $0xffff;
	v15 =	vmov v17  }
0x171: {  	v27 =	vadd.s32 v1, v16;
	v17 =	vadd.s32 v2, v13;
	[tilespmem:s29+$0x0] =	vst v19;
	v19 =	vld.idx.msk [tilespmem:v30+s11+$0x0], $0xffff  }
0x172: {  	v30 =	vadd.s32 v6, v9;
	v26 =	vld.idx.msk [tilespmem:v26+s11+$0x0], $0xffff  }
0x173: {  	s0 =	sand.u32 $0x70, s24;
	v31 =	vld [tilespmem:s26+$0xFFFFFFE0];
	[tilespmem:s19+$0x280] =	vst v24  }
0x174: {  	s30 =	sor.u32 s0, s28;
	[tilespmem:s22+$0x80] =	vst v18;
	v18 =	vld.idx.msk [tilespmem:v22+s11+$0x0], $0xffff;
	v22 =	vadd.s32 v7, v10;
	v10 =	vmov v12;
	v12 =	vmul.u32 $0x48, v28  }
0x175: {  	v24 =	vadd.s32 v2, v14;
	[tilespmem:s30+$0x0] =	vst v21;
	v21 =	vld.idx.msk [tilespmem:v23+s11+$0x0], $0xffff  }
0x176: {  	v23 =	vadd.s32 v0, v12;
	v17 =	vld.idx.msk [tilespmem:v17+s11+$0x0], $0xffff;
	[tilespmem:s20+$0x280] =	vst v25  }
0x177: {  	v25 =	vadd.s32 v7, v11;
	v11 =	vmov v13;
	[tilespmem:s17+$0x300] =	vst v20;
	v20 =	vld.idx.msk [tilespmem:v30+s11+$0x0], $0xffff  }
0x178: {  	[tilespmem:s29+$0x80] =	vst v26;
	v26 =	vld.idx.msk [tilespmem:v27+s11+$0x0], $0xffff;
	v27 =	vadd.s32 v7, v8;
	v8 =	vmov v14  }
0x179: {  	v14 =	vadd.s32 v3, v11;
	[tilespmem:s21+$0x180] =	vst v19;
	v19 =	vld.idx.msk [tilespmem:v22+s11+$0x0], $0xffff  }
0x17a: {  	s23 =	sadd.s32 $0x200, s23;
	s24 =	sadd.s32 $0x40, s24;
	v22 =	vld.idx.msk [tilespmem:v24+s11+$0x0], $0xffff;
	v24 =	vadd.s32 v2, v16;
	[tilespmem:s19+$0x300] =	vst v18;
	v18 =	vadd.s32 v7, v9;
	v9 =	vmov v16  }
0x17b: {  	v13 =	vmul.u32 $0x48, v29;
	v16 =	vld.idx.msk [tilespmem:v23+s11+$0x0], $0xffff;
	[tilespmem:s18+$0x300] =	vst v21  }
0x17c: {  	[tilespmem:s22+$0x100] =	vst v17;
	v17 =	vadd.s32 v4, v10;
	v21 =	vld.idx.msk [tilespmem:v25+s11+$0x0], $0xffff  }
0x17d: {  	v23 =	vadd.s32 v0, v13;
	v25 =	vld.idx.msk [tilespmem:v27+s11+$0x0], $0xffff;
	[tilespmem:s20+$0x300] =	vst v20  }
0x17e: {  	s0 =	sand.u32 $0x7C00, s23;
	s1 =	sadd.s32 $0xFFFFFFF0, s24;
	v27 =	vadd.s32 v3, v8;
	v20 =	vld.idx.msk [tilespmem:v14+s11+$0x0], $0xffff;
	[tilespmem:s30+$0x80] =	vst v26  }
0x17f: {  	s28 =	sadd.s32 $0x4200, s0;
	s0 =	sand.u32 $0x60, s1;
	v24 =	vld.idx.msk [tilespmem:v24+s11+$0x0], $0xffff;
	[tilespmem:s17+$0x380] =	vst v19;
	s17 =	smov.u32 s21  }
0x180: {  	s21 =	sor.u32 s0, s28;
	v19 =	vadd.s32 v4, v11;
	[tilespmem:s29+$0x100] =	vst v22;
	v18 =	vld.idx.msk [tilespmem:v18+s11+$0x0], $0xffff  }
0x181: {  	v14 =	vmul.u32 $0x48, v31;
	[tilespmem:s21+$0x0] =	vst v16;
	v16 =	vld.idx.msk [tilespmem:v17+s11+$0x0], $0xffff;
	v17 =	vadd.s32 v3, v9  }
0x182: {  	v22 =	vld.idx.msk [tilespmem:v23+s11+$0x0], $0xffff;
	v23 =	vadd.s32 v1, v12;
	[tilespmem:s18+$0x380] =	vst v21;
	s18 =	smov.u32 s22  }
0x183: {  	v21 =	vadd.s32 v0, v14;
	v26 =	vld.idx.msk [tilespmem:v27+s11+$0x0], $0xffff;
	[tilespmem:s19+$0x380] =	vst v25;
	s19 =	smov.u32 s29  }
0x184: {  	v25 =	vld [tilespmem:s26+$0x0];
	[tilespmem:s18+$0x180] =	vst v20;
	v20 =	vadd.s32 v5, v10  }
0x185: {  	v28 =	vadd.s32 v4, v8;
	v27 =	vld.idx.msk [tilespmem:v19+s11+$0x0], $0xffff;
	[tilespmem:s30+$0x100] =	vst v24  }
0x186: {  	v24 =	vadd.s32 v1, v13;
	v17 =	vld.idx.msk [tilespmem:v17+s11+$0x0], $0xffff;
	[tilespmem:s20+$0x380] =	vst v18;
	s20 =	smov.u32 s30  }
0x187: {  	v29 =	vadd.s32 v5, v11;
	s0 =	sadd.s32 $0xFFFFFFD0, s24;
	v23 =	vld.idx.msk [tilespmem:v23+s11+$0x0], $0xffff;
	[tilespmem:s17+$0x200] =	vst v16  }
0x188: {  	v30 =	vadd.s32 v4, v9;
	s0 =	sand.u32 $0x40, s0;
	v19 =	vld.idx.msk [tilespmem:v21+s11+$0x0], $0xffff  }
0x189: {  	v31 =	vadd.s32 v2, v12;
	s22 =	sor.u32 s0, s28;
	[tilespmem:s19+$0x180] =	vst v26;
	v21 =	vld.idx.msk [tilespmem:v20+s11+$0x0], $0xffff  }
.Ltmp2:
0x18a: {  	[tilespmem:s22+$0x0] =	vst v22;
	v26 =	vld.idx.msk [tilespmem:v28+s11+$0x0], $0xffff;
	(pc) =	sbr.rel @p0 .LBB2_6-.Ltmp2, $4  }
0x18b: {  	v16 =	vmul.u32 $0x48, v25;
	v18 =	vld.idx.msk [tilespmem:v24+s11+$0x0], $0xffff;
	[tilespmem:s18+$0x200] =	vst v27  }
0x18c: {  	v20 =	vadd.s32 v6, v10;
	v24 =	vadd.s32 v5, v8;
	v22 =	vld.idx.msk [tilespmem:v29+s11+$0x0], $0xffff;
	[tilespmem:s20+$0x180] =	vst v17  }
0x18d: {  	v27 =	vadd.s32 v0, v16;
	v17 =	vadd.s32 v5, v16;
	[tilespmem:s21+$0x80] =	vst v23;
	v23 =	vld.idx.msk [tilespmem:v30+s11+$0x0], $0xffff  }
0x18e: {  	s26 =	sadd.s32 $0x40, s26;
	v25 =	vld.idx.msk [tilespmem:v31+s11+$0x0], $0xffff  }
0x18f: {  	_ =	sdelay $0x3  }
0x190: {  	v28 =	vadd.s32 v1, v14;
	v27 =	vld.idx.msk [tilespmem:v27+s11+$0x0], $0xffff  }
0x191: {  	s0 =	sadd.s32 $0xFFFFFFE0, s24;
	v29 =	vadd.s32 v1, v16  }
0x192: {  	s0 =	sand.u32 $0x50, s0  }
0x193: {  	s31 =	sand.u32 $0x70, s24;
	s23 =	sor.u32 s0, s28  }
0x194: {  	s24 =	sor.u32 s31, s28;
	[tilespmem:s23+$0x0] =	vst v19  }
0x195: {  	v34 =	vadd.s32 v2, v13;
	v28 =	vld.idx.msk [tilespmem:v28+s11+$0x0], $0xffff;
	[tilespmem:s24+$0x0] =	vst v27  }
0x196: {  	v35 =	vadd.s32 v2, v14;
	v29 =	vld.idx.msk [tilespmem:v29+s11+$0x0], $0xffff  }
0x197: {  	[tilespmem:s19+$0x200] =	vst v26;
	v36 =	vadd.s32 v2, v16  }
0x198: {  	[tilespmem:s17+$0x280] =	vst v21  }
0x199: {  	[tilespmem:s22+$0x80] =	vst v18  }
0x19a: {  	v37 =	vadd.s32 v3, v12;
	v19 =	vld.idx.msk [tilespmem:v34+s11+$0x0], $0xffff;
	[tilespmem:s23+$0x80] =	vst v28  }
0x19b: {  	v38 =	vadd.s32 v3, v13;
	v27 =	vld.idx.msk [tilespmem:v35+s11+$0x0], $0xffff;
	[tilespmem:s24+$0x80] =	vst v29  }
0x19c: {  	v39 =	vadd.s32 v3, v14;
	[tilespmem:s18+$0x280] =	vst v22;
	v26 =	vld.idx.msk [tilespmem:v36+s11+$0x0], $0xffff  }
0x19d: {  	v40 =	vadd.s32 v3, v16;
	v24 =	vld.idx.msk [tilespmem:v24+s11+$0x0], $0xffff;
	[tilespmem:s20+$0x200] =	vst v23  }
0x19e: {  	v20 =	vld.idx.msk [tilespmem:v20+s11+$0x0], $0xffff;
	[tilespmem:s21+$0x100] =	vst v25  }
0x19f: {  	v46 =	vadd.s32 v6, v11;
	v18 =	vld.idx.msk [tilespmem:v37+s11+$0x0], $0xffff;
	[tilespmem:s22+$0x100] =	vst v19  }
0x1a0: {  	v42 =	vadd.s32 v4, v12;
	v21 =	vld.idx.msk [tilespmem:v38+s11+$0x0], $0xffff;
	[tilespmem:s23+$0x100] =	vst v27  }
0x1a1: {  	v43 =	vadd.s32 v4, v13;
	v22 =	vld.idx.msk [tilespmem:v39+s11+$0x0], $0xffff;
	[tilespmem:s24+$0x100] =	vst v26  }
0x1a2: {  	v44 =	vadd.s32 v4, v14;
	[tilespmem:s19+$0x280] =	vst v24;
	v23 =	vld.idx.msk [tilespmem:v40+s11+$0x0], $0xffff  }
0x1a3: {  	v45 =	vadd.s32 v4, v16;
	v15 =	vld.idx.msk [tilespmem:v15+s11+$0x0], $0xffff;
	[tilespmem:s17+$0x300] =	vst v20  }
0x1a4: {  	v41 =	vadd.s32 v6, v8;
	v51 =	vld.idx.msk [tilespmem:v46+s11+$0x0], $0xffff;
	[tilespmem:s21+$0x180] =	vst v18  }
0x1a5: {  	v10 =	vadd.s32 v7, v10;
	v19 =	vld.idx.msk [tilespmem:v42+s11+$0x0], $0xffff;
	[tilespmem:s22+$0x180] =	vst v21  }
0x1a6: {  	v48 =	vadd.s32 v5, v12;
	v27 =	vld.idx.msk [tilespmem:v43+s11+$0x0], $0xffff;
	[tilespmem:s23+$0x180] =	vst v22  }
0x1a7: {  	v49 =	vadd.s32 v5, v13;
	v24 =	vld.idx.msk [tilespmem:v44+s11+$0x0], $0xffff;
	[tilespmem:s24+$0x180] =	vst v23  }
0x1a8: {  	v50 =	vadd.s32 v5, v14;
	[tilespmem:s20+$0x280] =	vst v15;
	v15 =	vld.idx.msk [tilespmem:v45+s11+$0x0], $0xffff  }
0x1a9: {  	v25 =	vld.idx.msk [tilespmem:v41+s11+$0x0], $0xffff;
	[tilespmem:s18+$0x300] =	vst v51  }
0x1aa: {  	v47 =	vadd.s32 v6, v9;
	v10 =	vld.idx.msk [tilespmem:v10+s11+$0x0], $0xffff;
	[tilespmem:s21+$0x200] =	vst v19  }
0x1ab: {  	v52 =	vadd.s32 v7, v11;
	v19 =	vld.idx.msk [tilespmem:v48+s11+$0x0], $0xffff;
	[tilespmem:s22+$0x200] =	vst v27  }
0x1ac: {  	v54 =	vadd.s32 v6, v12;
	v53 =	vld.idx.msk [tilespmem:v49+s11+$0x0], $0xffff;
	[tilespmem:s23+$0x200] =	vst v24  }
0x1ad: {  	v55 =	vadd.s32 v6, v13;
	v20 =	vld.idx.msk [tilespmem:v50+s11+$0x0], $0xffff;
	[tilespmem:s24+$0x200] =	vst v15  }
0x1ae: {  	v56 =	vadd.s32 v6, v14;
	[tilespmem:s19+$0x300] =	vst v25;
	v17 =	vld.idx.msk [tilespmem:v17+s11+$0x0], $0xffff  }
0x1af: {  	v57 =	vadd.s32 v6, v16;
	v18 =	vld.idx.msk [tilespmem:v47+s11+$0x0], $0xffff;
	[tilespmem:s17+$0x380] =	vst v10  }
0x1b0: {  	v8 =	vadd.s32 v7, v8;
	v11 =	vld.idx.msk [tilespmem:v52+s11+$0x0], $0xffff;
	[tilespmem:s21+$0x280] =	vst v19  }
0x1b1: {  	v58 =	vadd.s32 v7, v9;
	v19 =	vld.idx.msk [tilespmem:v54+s11+$0x0], $0xffff;
	[tilespmem:s22+$0x280] =	vst v53  }
0x1b2: {  	v59 =	vadd.s32 v7, v12;
	v15 =	vld.idx.msk [tilespmem:v55+s11+$0x0], $0xffff;
	[tilespmem:s23+$0x280] =	vst v20  }
0x1b3: {  	v60 =	vadd.s32 v7, v13;
	v20 =	vld.idx.msk [tilespmem:v56+s11+$0x0], $0xffff;
	[tilespmem:s24+$0x280] =	vst v17  }
0x1b4: {  	v62 =	vadd.s32 v7, v14;
	[tilespmem:s20+$0x300] =	vst v18;
	v61 =	vld.idx.msk [tilespmem:v57+s11+$0x0], $0xffff  }
0x1b5: {  	v63 =	vadd.s32 v7, v16;
	v8 =	vld.idx.msk [tilespmem:v8+s11+$0x0], $0xffff;
	[tilespmem:s18+$0x380] =	vst v11  }
0x1b6: {  	v9 =	vld.idx.msk [tilespmem:v58+s11+$0x0], $0xffff;
	[tilespmem:s21+$0x300] =	vst v19  }
0x1b7: {  	v12 =	vld.idx.msk [tilespmem:v59+s11+$0x0], $0xffff;
	[tilespmem:s22+$0x300] =	vst v15  }
0x1b8: {  	v13 =	vld.idx.msk [tilespmem:v60+s11+$0x0], $0xffff;
	[tilespmem:s23+$0x300] =	vst v20  }
0x1b9: {  	v14 =	vld.idx.msk [tilespmem:v62+s11+$0x0], $0xffff;
	[tilespmem:s24+$0x300] =	vst v61  }
0x1ba: {  	[tilespmem:s19+$0x380] =	vst v8;
	v8 =	vld.idx.msk [tilespmem:v63+s11+$0x0], $0xffff  }
0x1bb: {  	[tilespmem:s20+$0x380] =	vst v9  }
0x1bc: {  	[tilespmem:s21+$0x380] =	vst v12  }
0x1bd: {  	[tilespmem:s22+$0x380] =	vst v13  }
0x1be: {  	[tilespmem:s23+$0x380] =	vst v14  }
0x1bf: {  	s16 =	sadd.s32 $0x1, s16;
	[tilespmem:s24+$0x380] =	vst v8  }
0x1c0: {  	[hbm4b:s6+s2] =	stream.linear.scatter [tilespmem:s13], [sflag:$0x4], $0x4000, $0x38;
	[tilespmem:$0xC200] =	vst v63  }
0x1c1: {  	p0 =	sne.s32 s16, s7;
	_ =	swait.ge [sflag:s14], $0x4000  }
.Ltmp3:
0x1c2: {  	[sflag:s14] =	ssyncset.done $0x0;
	(pc) =	sbr.rel @p0 .LBB2_1-.Ltmp3, $4  }
0x1c3: {  	[sflag:s14] =	ssyncadd.s32 $0xFFFFC000  }
0x1c4: {  	_ =	swait.ge [sflag:s15], $0x4000  }
0x1c5: {  	[sflag:s15] =	ssyncset.done $0x0  }
0x1c6: {  	[sflag:s15] =	ssyncadd.s32 $0xFFFFC000  }
0x1c7: {  	_ =	sfence.sel $0x180000  }
0x1c8: {  	[bflag:$0x0] =	sbarrier.arrive $0xFFFF  }
0x1c9: {  	_ =	strace $0x90000047  }
0x1ca: {  	s0 =	stileid.u32;
	[bflag:$0x2] =	sbarrier.arrive $0xFFFF  }
0x1cb: {  	p0 =	sne.s32 s0, $0x0;
	s0 =	rddreg [dreg:$0x3]  }
0x1cc: {  	s0 =	sadd.s32 @!p0 $0x100000, s0  }
0x1cd: {  	[sflag:s0] =	ssyncadd.tile.s32 @!p0 $0x1;
	_ =	shalt  }
.Lfunc_end2:
_tile_overlayer_lowered:
.L_overlay_start_2:
0x1ce: {  	(tag) =	ssettag $0x2  }
0x1cf: {  	s0 =	rddreg [dreg:$0x0];
	s2 =	stileid.u32  }
0x1d0: {  	s1 =	rddreg [dreg:$0x1];
	p0 =	sne.s32 s2, $0x0  }
0x1d1: {  	s3 =	rddreg [dreg:$0x2];
	[bflag:$0x3] =	sbarrier.arrive $0xFFFF;
	s2 =	simm.s32 @!p0 $0x1C05  }
0x1d2: {  	[timem:s3], [sflag:s2] =	dma.local @!p0 [hbm:s0], s1  }
0x1d3: {  	s0 =	simm.s32 @!p0 $0x5  }
0x1d4: {  	_ =	swait.ge @!p0 [sflag:s0], s1  }
0x1d5: {  	s1 =	ssub.s32 @!p0 $0x0, s1;
	[sflag:s0] =	ssyncset.done @!p0 $0x0  }
0x1d6: {  	[sflag:s0] =	ssyncadd.s32 @!p0 s1  }
0x1d7: {  	[bflag:$0x3] =	sbarrier.arrive $0xFFFF  }
0x1d8: {  	_ =	shalt  }

</sc_bundles>
